<compile_context>
chip_gen: v7x
topology: tpu7x:2x2x1
jax: 0.10.2.dev20260603
libtpu: 0.0.44.dev20260713+nightly
codegen_flags: <defaults>
</compile_context>

<pallas_src>
import functools

import jax
import jax.numpy as jnp
from jax import lax
from jax.experimental import pallas as pl
from jax.experimental.pallas import tpu as pltpu
from jax.experimental.pallas import tpu_sc as plsc

N, E, D = 10000, 320000, 128
NC, NS = 2, 16
NW = NC * NS
EPT = E // NW
C = 125
NCHUNK = EPT // C
NPAD = 10240
RPT = NPAD // NS
ZB = 16
ZR = 128
NG = 20
NGRP = NCHUNK // NG


def _make_sc_agg(W):
    mesh = plsc.VectorSubcoreMesh(core_axis_name="c", subcore_axis_name="s")

    @functools.partial(
        pl.kernel,
        mesh=mesh,
        compiler_params=pltpu.CompilerParams(use_tc_tiling_on_sc=False),
        out_type=jax.ShapeDtypeStruct((NC, NPAD, W), jnp.float32),
        scratch_types=[
            pltpu.VMEM((NG, C), jnp.int32),
            pltpu.VMEM((NG, C), jnp.int32),
            pltpu.VMEM((C, W), jnp.float32),
            pltpu.VMEM((ZB, W), jnp.float32),
            pltpu.VMEM_SHARED((NPAD, W), jnp.float32),
            pltpu.SemaphoreType.DMA,
        ],
    )
    def sc_agg(h_hbm, src_hbm, dst_hbm, out_hbm,
               src_v, dst_v, rows_v, zbuf, agg_sh, sem):
        cid = lax.axis_index("c")
        sid = lax.axis_index("s")
        wid = sid * NC + cid

        def zrow(i, carry):
            for kk in range(W // 16):
                zbuf[i, pl.ds(kk * 16, 16)] = jnp.zeros((16,), jnp.float32)
            return carry
        lax.fori_loop(0, ZB, zrow, 0)

        def zcopy(j, carry):
            pltpu.sync_copy(zbuf, agg_sh.at[pl.ds(sid * RPT + j * ZB, ZB)])
            return carry
        lax.fori_loop(0, RPT // ZB, zcopy, 0)
        plsc.subcore_barrier()

        def group(g, carry):
            base = wid * NCHUNK + g * NG
            pltpu.sync_copy(src_hbm.at[pl.ds(base, NG)], src_v)
            pltpu.sync_copy(dst_hbm.at[pl.ds(base, NG)], dst_v)

            def chunk(j, c):
                pltpu.async_copy(h_hbm.at[src_v.at[j]], rows_v, sem).wait()
                pltpu.sync_copy(rows_v, agg_sh.at[dst_v.at[j]], add=True)
                return c
            lax.fori_loop(0, NG, chunk, 0)
            return carry
        lax.fori_loop(0, NGRP, group, 0)

        plsc.subcore_barrier()
        for j in range(RPT // ZR):
            r0 = sid * RPT + j * ZR
            pltpu.sync_copy(agg_sh.at[pl.ds(r0, ZR)],
                            out_hbm.at[cid, pl.ds(r0, ZR)])

    return sc_agg


_R = 1000


def _tc_layer1(parts, h, Wl, Wr, b):
    W1 = D + 16

    def body(p_ref, h_ref, wl_ref, wr_ref, b_ref, out_ref, invd_ref):
        p = p_ref[0] + p_ref[1]
        agg = p[:, :D]
        deg = p[:, D:D + 1]
        invd = 1.0 / jnp.maximum(deg, 1.0)
        mean = agg * invd
        y = (jnp.dot(mean, wl_ref[...], preferred_element_type=jnp.float32)
             + jnp.dot(h_ref[...], wr_ref[...],
                       preferred_element_type=jnp.float32)
             + b_ref[...])
        out_ref[...] = jnp.maximum(y, 0.0)
        invd_ref[...] = jnp.broadcast_to(invd, (_R, D))

    return pl.pallas_call(
        body,
        grid=(N // _R,),
        in_specs=[
            pl.BlockSpec((NC, _R, W1), lambda i: (0, i, 0)),
            pl.BlockSpec((_R, D), lambda i: (i, 0)),
            pl.BlockSpec((D, D), lambda i: (0, 0)),
            pl.BlockSpec((D, D), lambda i: (0, 0)),
            pl.BlockSpec((1, D), lambda i: (0, 0)),
        ],
        out_specs=[
            pl.BlockSpec((_R, D), lambda i: (i, 0)),
            pl.BlockSpec((_R, D), lambda i: (i, 0)),
        ],
        out_shape=[
            jax.ShapeDtypeStruct((N, D), jnp.float32),
            jax.ShapeDtypeStruct((N, D), jnp.float32),
        ],
    )(parts, h, Wl, Wr, b.reshape(1, D))


def _tc_layer(parts, h, invd, Wl, Wr, b):
    def body(p_ref, h_ref, invd_ref, wl_ref, wr_ref, b_ref, out_ref):
        mean = (p_ref[0] + p_ref[1]) * invd_ref[...]
        y = (jnp.dot(mean, wl_ref[...], preferred_element_type=jnp.float32)
             + jnp.dot(h_ref[...], wr_ref[...],
                       preferred_element_type=jnp.float32)
             + b_ref[...])
        out_ref[...] = jnp.maximum(y, 0.0)

    return pl.pallas_call(
        body,
        grid=(N // _R,),
        in_specs=[
            pl.BlockSpec((NC, _R, D), lambda i: (0, i, 0)),
            pl.BlockSpec((_R, D), lambda i: (i, 0)),
            pl.BlockSpec((_R, D), lambda i: (i, 0)),
            pl.BlockSpec((D, D), lambda i: (0, 0)),
            pl.BlockSpec((D, D), lambda i: (0, 0)),
            pl.BlockSpec((1, D), lambda i: (0, 0)),
        ],
        out_specs=pl.BlockSpec((_R, D), lambda i: (i, 0)),
        out_shape=jax.ShapeDtypeStruct((N, D), jnp.float32),
    )(parts, h, invd, Wl, Wr, b.reshape(1, D))


def kernel(x, edge_index, Wl1, Wr1, b1, Wl2, Wr2, b2, Wl3, Wr3, b3):
    src = edge_index[0].reshape(E // C, C)
    dst = edge_index[1].reshape(E // C, C)

    ones_col = jnp.ones((N, 1), jnp.float32)
    pad = jnp.zeros((N, 15), jnp.float32)
    x_aug = jnp.concatenate([x, ones_col, pad], axis=1)

    parts1 = _make_sc_agg(D + 16)(x_aug, src, dst)
    h1, invd = _tc_layer1(parts1, x, Wl1, Wr1, b1)

    sc_agg = _make_sc_agg(D)
    parts2 = sc_agg(h1, src, dst)
    h2 = _tc_layer(parts2, h1, invd, Wl2, Wr2, b2)

    parts3 = sc_agg(h2, src, dst)
    h3 = _tc_layer(parts3, h2, invd, Wl3, Wr3, b3)
    return h3

# --- scband reference (transcript-rebuilt; emitter-appended) ---
"""Pipeline reference for scband-gnnencoder-12266426598044 (READ-ONLY COPY).

The authoritative reference and input builder live on the scoring server;
editing this copy changes nothing except your own understanding.
"""

import jax, jax.numpy as jnp
import numpy as np

N, E, D, O = 10000, 320000, 128, 128


def setup_inputs(seed: int = 0) -> dict:
    key = jax.random.key(seed)
    ks = jax.random.split(key, 12)
    x = jax.random.normal(ks[0], (N, D), dtype=jnp.float32)
    edge_index = jax.random.randint(ks[1], (2, E), 0, N, dtype=jnp.int32)
    s_in = 1.0 / np.sqrt(D)
    s_h = 1.0 / np.sqrt(O)
    params = {
        'Wl1': jax.random.normal(ks[2], (D, O), dtype=jnp.float32) * s_in,
        'Wr1': jax.random.normal(ks[3], (D, O), dtype=jnp.float32) * s_in,
        'b1': jnp.zeros((O,), dtype=jnp.float32),
        'Wl2': jax.random.normal(ks[4], (O, O), dtype=jnp.float32) * s_h,
        'Wr2': jax.random.normal(ks[5], (O, O), dtype=jnp.float32) * s_h,
        'b2': jnp.zeros((O,), dtype=jnp.float32),
        'Wl3': jax.random.normal(ks[6], (O, O), dtype=jnp.float32) * s_h,
        'Wr3': jax.random.normal(ks[7], (O, O), dtype=jnp.float32) * s_h,
        'b3': jnp.zeros((O,), dtype=jnp.float32),
    }
    return {'x': x, 'edge_index': edge_index, **params}


def _sage_conv(x, edge_index, Wl, Wr, b):
    # PyG SAGEConv (aggr='mean'): out = lin_l(mean_{j in N(i)} x_j) + lin_r(x_i)
    src = edge_index[0]
    dst = edge_index[1]
    msgs = jnp.take(x, src, axis=0)
    agg = jax.ops.segment_sum(msgs, dst, num_segments=x.shape[0])
    deg = jax.ops.segment_sum(jnp.ones((edge_index.shape[1],), x.dtype), dst, num_segments=x.shape[0])
    mean = agg / jnp.clip(deg, 1.0, None)[:, None]
    return mean @ Wl + x @ Wr + b


def reference(x, edge_index, Wl1, Wr1, b1, Wl2, Wr2, b2, Wl3, Wr3, b3):
    h = jax.nn.relu(_sage_conv(x, edge_index, Wl1, Wr1, b1))
    h = jax.nn.relu(_sage_conv(h, edge_index, Wl2, Wr2, b2))
    h = jax.nn.relu(_sage_conv(h, edge_index, Wl3, Wr3, b3))
    return h

if __name__ == "__main__":
    import jax
    _d = setup_inputs()
    print(jax.jit(kernel)(*tuple(_d.values())))

</pallas_src>

<mosaic_0001>
#map = affine_map<(d0, d1) -> (0, 0)>
#map1 = affine_map<(d0, d1) -> (0, 0, 0)>
module attributes {stable_mosaic.version = 14 : i64} {
  func.func @sc_agg(%arg0: i32, %arg1: i32, %arg2: memref<10000x144xf32, #tpu.memory_space<hbm>>, %arg3: memref<2560x125xi32, #tpu.memory_space<hbm>>, %arg4: memref<2560x125xi32, #tpu.memory_space<hbm>>, %arg5: memref<2x10240x144xf32, #tpu.memory_space<hbm>>, %arg6: memref<20x125xi32, #tpu.memory_space<vmem>>, %arg7: memref<20x125xi32, #tpu.memory_space<vmem>>, %arg8: memref<125x144xf32, #tpu.memory_space<vmem>>, %arg9: memref<16x144xf32, #tpu.memory_space<vmem>>, %arg10: memref<10240x144xf32, #tpu.memory_space<vmem_shared>>, %arg11: memref<!tpu.dma_semaphore, #tpu.memory_space<semaphore_mem>>) attributes {dimension_semantics = [#tpu.dimension_semantics<core_parallel>, #tpu.dimension_semantics<subcore_parallel>], iteration_bounds = array<i64: 2, 16>, scalar_prefetch = 0 : i64, scratch_operands = 6 : i64, tpu.core_type = #tpu.core_type<sc_vector_subcore>, window_params = [{transform_indices = #map}, {transform_indices = #map}, {transform_indices = #map}, {transform_indices = #map1}]} {
    %mul3A = arith.constant 2 : i32
    %mul3A_0 = arith.muli %arg1, %mul3A : i32
    %add3A = arith.addi %mul3A_0, %arg0 : i32
    %scan3A = arith.constant 0 : i32
    %scan3A_1 = arith.constant 0 : i32
    %scan3A_2 = arith.constant 16 : i32
    %scan3A_3 = arith.addi %scan3A_1, %scan3A_2 : i32
    %scan3A_4 = arith.constant 1 : i32
    scf.for %scan3A_39 = %scan3A_1 to %scan3A_3 step %scan3A_4  : i32 {
      %broadcast_in_dim3A = arith.constant 0.000000e+00 : f32
      %broadcast_in_dim3A_40 = vector.broadcast %broadcast_in_dim3A : f32 to vector<16xf32>
      %swap3A = arith.index_cast %scan3A_39 : i32 to index
      %swap3A_41 = arith.constant 0 : index
      %swap3A_42 = tpu.vector_load %arg9[%swap3A, %swap3A_41] {strides = array<i32>} : memref<16x144xf32, #tpu.memory_space<vmem>>, vector<1x16xf32>,
      %swap3A_43 = vector.shape_cast %swap3A_42 : vector<1x16xf32> to vector<16xf32>
      %swap3A_44 = vector.shape_cast %broadcast_in_dim3A_40 : vector<16xf32> to vector<1x16xf32>
      tpu.vector_store %arg9[%swap3A, %swap3A_41], %swap3A_44 {strides = array<i32>} : memref<16x144xf32, #tpu.memory_space<vmem>>, vector<1x16xf32>,
      %broadcast_in_dim3A_45 = arith.constant 0.000000e+00 : f32
      %broadcast_in_dim3A_46 = vector.broadcast %broadcast_in_dim3A_45 : f32 to vector<16xf32>
      %swap3A_47 = arith.index_cast %scan3A_39 : i32 to index
      %swap3A_48 = arith.constant 16 : index
      %swap3A_49 = tpu.vector_load %arg9[%swap3A_47, %swap3A_48] {strides = array<i32>} : memref<16x144xf32, #tpu.memory_space<vmem>>, vector<1x16xf32>,
      %swap3A_50 = vector.shape_cast %swap3A_49 : vector<1x16xf32> to vector<16xf32>
      %swap3A_51 = vector.shape_cast %broadcast_in_dim3A_46 : vector<16xf32> to vector<1x16xf32>
      tpu.vector_store %arg9[%swap3A_47, %swap3A_48], %swap3A_51 {strides = array<i32>} : memref<16x144xf32, #tpu.memory_space<vmem>>, vector<1x16xf32>,
      %broadcast_in_dim3A_52 = arith.constant 0.000000e+00 : f32
      %broadcast_in_dim3A_53 = vector.broadcast %broadcast_in_dim3A_52 : f32 to vector<16xf32>
      %swap3A_54 = arith.index_cast %scan3A_39 : i32 to index
      %swap3A_55 = arith.constant 32 : index
      %swap3A_56 = tpu.vector_load %arg9[%swap3A_54, %swap3A_55] {strides = array<i32>} : memref<16x144xf32, #tpu.memory_space<vmem>>, vector<1x16xf32>,
      %swap3A_57 = vector.shape_cast %swap3A_56 : vector<1x16xf32> to vector<16xf32>
      %swap3A_58 = vector.shape_cast %broadcast_in_dim3A_53 : vector<16xf32> to vector<1x16xf32>
      tpu.vector_store %arg9[%swap3A_54, %swap3A_55], %swap3A_58 {strides = array<i32>} : memref<16x144xf32, #tpu.memory_space<vmem>>, vector<1x16xf32>,
      %broadcast_in_dim3A_59 = arith.constant 0.000000e+00 : f32
      %broadcast_in_dim3A_60 = vector.broadcast %broadcast_in_dim3A_59 : f32 to vector<16xf32>
      %swap3A_61 = arith.index_cast %scan3A_39 : i32 to index
      %swap3A_62 = arith.constant 48 : index
      %swap3A_63 = tpu.vector_load %arg9[%swap3A_61, %swap3A_62] {strides = array<i32>} : memref<16x144xf32, #tpu.memory_space<vmem>>, vector<1x16xf32>,
      %swap3A_64 = vector.shape_cast %swap3A_63 : vector<1x16xf32> to vector<16xf32>
      %swap3A_65 = vector.shape_cast %broadcast_in_dim3A_60 : vector<16xf32> to vector<1x16xf32>
      tpu.vector_store %arg9[%swap3A_61, %swap3A_62], %swap3A_65 {strides = array<i32>} : memref<16x144xf32, #tpu.memory_space<vmem>>, vector<1x16xf32>,
      %broadcast_in_dim3A_66 = arith.constant 0.000000e+00 : f32
      %broadcast_in_dim3A_67 = vector.broadcast %broadcast_in_dim3A_66 : f32 to vector<16xf32>
      %swap3A_68 = arith.index_cast %scan3A_39 : i32 to index
      %swap3A_69 = arith.constant 64 : index
      %swap3A_70 = tpu.vector_load %arg9[%swap3A_68, %swap3A_69] {strides = array<i32>} : memref<16x144xf32, #tpu.memory_space<vmem>>, vector<1x16xf32>,
      %swap3A_71 = vector.shape_cast %swap3A_70 : vector<1x16xf32> to vector<16xf32>
      %swap3A_72 = vector.shape_cast %broadcast_in_dim3A_67 : vector<16xf32> to vector<1x16xf32>
      tpu.vector_store %arg9[%swap3A_68, %swap3A_69], %swap3A_72 {strides = array<i32>} : memref<16x144xf32, #tpu.memory_space<vmem>>, vector<1x16xf32>,
      %broadcast_in_dim3A_73 = arith.constant 0.000000e+00 : f32
      %broadcast_in_dim3A_74 = vector.broadcast %broadcast_in_dim3A_73 : f32 to vector<16xf32>
      %swap3A_75 = arith.index_cast %scan3A_39 : i32 to index
      %swap3A_76 = arith.constant 80 : index
      %swap3A_77 = tpu.vector_load %arg9[%swap3A_75, %swap3A_76] {strides = array<i32>} : memref<16x144xf32, #tpu.memory_space<vmem>>, vector<1x16xf32>,
      %swap3A_78 = vector.shape_cast %swap3A_77 : vector<1x16xf32> to vector<16xf32>
      %swap3A_79 = vector.shape_cast %broadcast_in_dim3A_74 : vector<16xf32> to vector<1x16xf32>
      tpu.vector_store %arg9[%swap3A_75, %swap3A_76], %swap3A_79 {strides = array<i32>} : memref<16x144xf32, #tpu.memory_space<vmem>>, vector<1x16xf32>,
      %broadcast_in_dim3A_80 = arith.constant 0.000000e+00 : f32
      %broadcast_in_dim3A_81 = vector.broadcast %broadcast_in_dim3A_80 : f32 to vector<16xf32>
      %swap3A_82 = arith.index_cast %scan3A_39 : i32 to index
      %swap3A_83 = arith.constant 96 : index
      %swap3A_84 = tpu.vector_load %arg9[%swap3A_82, %swap3A_83] {strides = array<i32>} : memref<16x144xf32, #tpu.memory_space<vmem>>, vector<1x16xf32>,
      %swap3A_85 = vector.shape_cast %swap3A_84 : vector<1x16xf32> to vector<16xf32>
      %swap3A_86 = vector.shape_cast %broadcast_in_dim3A_81 : vector<16xf32> to vector<1x16xf32>
      tpu.vector_store %arg9[%swap3A_82, %swap3A_83], %swap3A_86 {strides = array<i32>} : memref<16x144xf32, #tpu.memory_space<vmem>>, vector<1x16xf32>,
      %broadcast_in_dim3A_87 = arith.constant 0.000000e+00 : f32
      %broadcast_in_dim3A_88 = vector.broadcast %broadcast_in_dim3A_87 : f32 to vector<16xf32>
      %swap3A_89 = arith.index_cast %scan3A_39 : i32 to index
      %swap3A_90 = arith.constant 112 : index
      %swap3A_91 = tpu.vector_load %arg9[%swap3A_89, %swap3A_90] {strides = array<i32>} : memref<16x144xf32, #tpu.memory_space<vmem>>, vector<1x16xf32>,
      %swap3A_92 = vector.shape_cast %swap3A_91 : vector<1x16xf32> to vector<16xf32>
      %swap3A_93 = vector.shape_cast %broadcast_in_dim3A_88 : vector<16xf32> to vector<1x16xf32>
      tpu.vector_store %arg9[%swap3A_89, %swap3A_90], %swap3A_93 {strides = array<i32>} : memref<16x144xf32, #tpu.memory_space<vmem>>, vector<1x16xf32>,
      %broadcast_in_dim3A_94 = arith.constant 0.000000e+00 : f32
      %broadcast_in_dim3A_95 = vector.broadcast %broadcast_in_dim3A_94 : f32 to vector<16xf32>
      %swap3A_96 = arith.index_cast %scan3A_39 : i32 to index
      %swap3A_97 = arith.constant 128 : index
      %swap3A_98 = tpu.vector_load %arg9[%swap3A_96, %swap3A_97] {strides = array<i32>} : memref<16x144xf32, #tpu.memory_space<vmem>>, vector<1x16xf32>,
      %swap3A_99 = vector.shape_cast %swap3A_98 : vector<1x16xf32> to vector<16xf32>
      %swap3A_100 = vector.shape_cast %broadcast_in_dim3A_95 : vector<16xf32> to vector<1x16xf32>
      tpu.vector_store %arg9[%swap3A_96, %swap3A_97], %swap3A_100 {strides = array<i32>} : memref<16x144xf32, #tpu.memory_space<vmem>>, vector<1x16xf32>,
    }
    %scan3A_5 = arith.constant 16 : i32
    %scan3A_6 = arith.constant 0 : i32
    %scan3A_7 = arith.constant 0 : i32
    %scan3A_8 = arith.constant 40 : i32
    %scan3A_9 = arith.addi %scan3A_7, %scan3A_8 : i32
    %scan3A_10 = arith.constant 1 : i32
    scf.for %scan3A_39 = %scan3A_7 to %scan3A_9 step %scan3A_10  : i32 {
      %mul3A_40 = arith.constant 640 : i32
      %mul3A_41 = arith.muli %arg1, %mul3A_40 : i32
      %mul3A_42 = arith.constant 16 : i32
      %mul3A_43 = arith.muli %scan3A_39, %mul3A_42 : i32
      %add3A_44 = arith.addi %mul3A_41, %mul3A_43 : i32
      "tpu.region"() ({
        %run_scoped3A = tpu.sem_alloc : memref<!tpu.dma_semaphore, #tpu.memory_space<semaphore_mem>>
        %dma_start3A = arith.constant 0 : i32
        %dma_start3A_45 = tpu.memref_slice %arg10[%add3A_44, %dma_start3A] : memref<10240x144xf32, #tpu.memory_space<vmem_shared>> -> memref<16x144xf32, #tpu.memory_space<vmem_shared>>
        %dma_start3A_46 = arith.constant 0 : i32
        %dma_start3A_47 = tpu.memref_slice %arg10[%add3A_44, %dma_start3A_46] : memref<10240x144xf32, #tpu.memory_space<vmem_shared>> -> memref<16x144xf32, #tpu.memory_space<vmem_shared>>
        tpu.enqueue_dma source(%arg9 : memref<16x144xf32, #tpu.memory_space<vmem>>) target(%dma_start3A_47 : memref<16x144xf32, #tpu.memory_space<vmem_shared>>) target_semaphore(%run_scoped3A : memref<!tpu.dma_semaphore, #tpu.memory_space<semaphore_mem>>)
        %dma_wait3A = arith.constant 0 : i32
        %dma_wait3A_48 = tpu.memref_slice %arg10[%add3A_44, %dma_wait3A] : memref<10240x144xf32, #tpu.memory_space<vmem_shared>> -> memref<16x144xf32, #tpu.memory_space<vmem_shared>>
        %dma_wait3A_49 = arith.constant 0 : i32
        %dma_wait3A_50 = tpu.memref_slice %arg10[%add3A_44, %dma_wait3A_49] : memref<10240x144xf32, #tpu.memory_space<vmem_shared>> -> memref<16x144xf32, #tpu.memory_space<vmem_shared>>
        tpu.wait_dma2 semaphore(%run_scoped3A : memref<!tpu.dma_semaphore, #tpu.memory_space<semaphore_mem>>) src(%arg9 : memref<16x144xf32, #tpu.memory_space<vmem>>) dst(%dma_wait3A_50 : memref<16x144xf32, #tpu.memory_space<vmem_shared>>)
        tpu.yield
      }) : () -> ()
    }
    %scan3A_11 = arith.constant 40 : i32
    %barrier3A = arith.constant 0 : index
    tpu.barrier barrier_id(%barrier3A)
    %scan3A_12 = arith.constant 0 : i32
    %scan3A_13 = arith.constant 0 : i32
    %scan3A_14 = arith.constant 4 : i32
    %scan3A_15 = arith.addi %scan3A_13, %scan3A_14 : i32
    %scan3A_16 = arith.constant 1 : i32
    scf.for %scan3A_39 = %scan3A_13 to %scan3A_15 step %scan3A_16  : i32 {
      %mul3A_40 = arith.constant 80 : i32
      %mul3A_41 = arith.muli %add3A, %mul3A_40 : i32
      %mul3A_42 = arith.constant 20 : i32
      %mul3A_43 = arith.muli %scan3A_39, %mul3A_42 : i32
      %add3A_44 = arith.addi %mul3A_41, %mul3A_43 : i32
      "tpu.region"() ({
        %run_scoped3A = tpu.sem_alloc : memref<!tpu.dma_semaphore, #tpu.memory_space<semaphore_mem>>
        %dma_start3A = arith.constant 0 : i32
        %dma_start3A_51 = tpu.memref_slice %arg3[%add3A_44, %dma_start3A] : memref<2560x125xi32, #tpu.memory_space<hbm>> -> memref<20x125xi32, #tpu.memory_space<hbm>>
        %dma_start3A_52 = arith.constant 0 : i32
        %dma_start3A_53 = tpu.memref_slice %arg3[%add3A_44, %dma_start3A_52] : memref<2560x125xi32, #tpu.memory_space<hbm>> -> memref<20x125xi32, #tpu.memory_space<hbm>>
        tpu.enqueue_dma source(%dma_start3A_53 : memref<20x125xi32, #tpu.memory_space<hbm>>) target(%arg6 : memref<20x125xi32, #tpu.memory_space<vmem>>) target_semaphore(%run_scoped3A : memref<!tpu.dma_semaphore, #tpu.memory_space<semaphore_mem>>)
        %dma_wait3A = arith.constant 0 : i32
        %dma_wait3A_54 = tpu.memref_slice %arg3[%add3A_44, %dma_wait3A] : memref<2560x125xi32, #tpu.memory_space<hbm>> -> memref<20x125xi32, #tpu.memory_space<hbm>>
        %dma_wait3A_55 = arith.constant 0 : i32
        %dma_wait3A_56 = tpu.memref_slice %arg3[%add3A_44, %dma_wait3A_55] : memref<2560x125xi32, #tpu.memory_space<hbm>> -> memref<20x125xi32, #tpu.memory_space<hbm>>
        tpu.wait_dma2 semaphore(%run_scoped3A : memref<!tpu.dma_semaphore, #tpu.memory_space<semaphore_mem>>) src(%dma_wait3A_56 : memref<20x125xi32, #tpu.memory_space<hbm>>) dst(%arg6 : memref<20x125xi32, #tpu.memory_space<vmem>>)
        tpu.yield
      }) : () -> ()
      "tpu.region"() ({
        %run_scoped3A = tpu.sem_alloc : memref<!tpu.dma_semaphore, #tpu.memory_space<semaphore_mem>>
        %dma_start3A = arith.constant 0 : i32
        %dma_start3A_51 = tpu.memref_slice %arg4[%add3A_44, %dma_start3A] : memref<2560x125xi32, #tpu.memory_space<hbm>> -> memref<20x125xi32, #tpu.memory_space<hbm>>
        %dma_start3A_52 = arith.constant 0 : i32
        %dma_start3A_53 = tpu.memref_slice %arg4[%add3A_44, %dma_start3A_52] : memref<2560x125xi32, #tpu.memory_space<hbm>> -> memref<20x125xi32, #tpu.memory_space<hbm>>
        tpu.enqueue_dma source(%dma_start3A_53 : memref<20x125xi32, #tpu.memory_space<hbm>>) target(%arg7 : memref<20x125xi32, #tpu.memory_space<vmem>>) target_semaphore(%run_scoped3A : memref<!tpu.dma_semaphore, #tpu.memory_space<semaphore_mem>>)
        %dma_wait3A = arith.constant 0 : i32
        %dma_wait3A_54 = tpu.memref_slice %arg4[%add3A_44, %dma_wait3A] : memref<2560x125xi32, #tpu.memory_space<hbm>> -> memref<20x125xi32, #tpu.memory_space<hbm>>
        %dma_wait3A_55 = arith.constant 0 : i32
        %dma_wait3A_56 = tpu.memref_slice %arg4[%add3A_44, %dma_wait3A_55] : memref<2560x125xi32, #tpu.memory_space<hbm>> -> memref<20x125xi32, #tpu.memory_space<hbm>>
        tpu.wait_dma2 semaphore(%run_scoped3A : memref<!tpu.dma_semaphore, #tpu.memory_space<semaphore_mem>>) src(%dma_wait3A_56 : memref<20x125xi32, #tpu.memory_space<hbm>>) dst(%arg7 : memref<20x125xi32, #tpu.memory_space<vmem>>)
        tpu.yield
      }) : () -> ()
      %scan3A_45 = arith.constant 0 : i32
      %scan3A_46 = arith.constant 0 : i32
      %scan3A_47 = arith.constant 20 : i32
      %scan3A_48 = arith.addi %scan3A_46, %scan3A_47 : i32
      %scan3A_49 = arith.constant 1 : i32
      scf.for %scan3A_51 = %scan3A_46 to %scan3A_48 step %scan3A_49  : i32 {
        %dma_start3A = arith.constant 0 : i32
        %dma_start3A_52 = tpu.memref_slice %arg6[%scan3A_51, %dma_start3A] : memref<20x125xi32, #tpu.memory_space<vmem>> -> memref<1x125xi32, #tpu.memory_space<vmem>>
        %dma_start3A_53 = tpu.memref_squeeze %dma_start3A_52 : memref<1x125xi32, #tpu.memory_space<vmem>> -> memref<125xi32, #tpu.memory_space<vmem>>
        %dma_start3A_54 = arith.constant 0 : i32
        %dma_start3A_55 = arith.constant 0 : i32
        %dma_start3A_56 = tpu.memref_slice %arg2[%dma_start3A_54, %dma_start3A_55] : memref<10000x144xf32, #tpu.memory_space<hbm>> -> memref<10000x144xf32, #tpu.memory_space<hbm>>
        tpu.enqueue_indirect_dma source(%dma_start3A_56 : memref<10000x144xf32, #tpu.memory_space<hbm>>) target(%arg8 : memref<125x144xf32, #tpu.memory_space<vmem>>) offsets(%dma_start3A_53 : memref<125xi32, #tpu.memory_space<vmem>>) semaphore(%arg11 : memref<!tpu.dma_semaphore, #tpu.memory_space<semaphore_mem>>)
        %dma_wait3A = arith.constant 0 : i32
        %dma_wait3A_57 = tpu.memref_slice %arg6[%scan3A_51, %dma_wait3A] : memref<20x125xi32, #tpu.memory_space<vmem>> -> memref<1x125xi32, #tpu.memory_space<vmem>>
        %dma_wait3A_58 = tpu.memref_squeeze %dma_wait3A_57 : memref<1x125xi32, #tpu.memory_space<vmem>> -> memref<125xi32, #tpu.memory_space<vmem>>
        %dma_wait3A_59 = arith.constant 0 : i32
        %dma_wait3A_60 = arith.constant 0 : i32
        %dma_wait3A_61 = tpu.memref_slice %arg2[%dma_wait3A_59, %dma_wait3A_60] : memref<10000x144xf32, #tpu.memory_space<hbm>> -> memref<10000x144xf32, #tpu.memory_space<hbm>>
        tpu.wait_indirect_dma semaphore(%arg11 : memref<!tpu.dma_semaphore, #tpu.memory_space<semaphore_mem>>) src(%dma_wait3A_61 : memref<10000x144xf32, #tpu.memory_space<hbm>>) dst(%arg8 : memref<125x144xf32, #tpu.memory_space<vmem>>)
        "tpu.region"() ({
          %run_scoped3A = tpu.sem_alloc : memref<!tpu.dma_semaphore, #tpu.memory_space<semaphore_mem>>
          %dma_start3A_62 = arith.constant 0 : i32
          %dma_start3A_63 = tpu.memref_slice %arg7[%scan3A_51, %dma_start3A_62] : memref<20x125xi32, #tpu.memory_space<vmem>> -> memref<1x125xi32, #tpu.memory_space<vmem>>
          %dma_start3A_64 = tpu.memref_squeeze %dma_start3A_63 : memref<1x125xi32, #tpu.memory_space<vmem>> -> memref<125xi32, #tpu.memory_space<vmem>>
          %dma_start3A_65 = arith.constant 0 : i32
          %dma_start3A_66 = arith.constant 0 : i32
          %dma_start3A_67 = tpu.memref_slice %arg10[%dma_start3A_65, %dma_start3A_66] : memref<10240x144xf32, #tpu.memory_space<vmem_shared>> -> memref<10240x144xf32, #tpu.memory_space<vmem_shared>>
          tpu.enqueue_indirect_dma source(%arg8 : memref<125x144xf32, #tpu.memory_space<vmem>>) target(%dma_start3A_67 : memref<10240x144xf32, #tpu.memory_space<vmem_shared>>) offsets(%dma_start3A_64 : memref<125xi32, #tpu.memory_space<vmem>>) semaphore(%run_scoped3A : memref<!tpu.dma_semaphore, #tpu.memory_space<semaphore_mem>>) {add = true}
          %dma_wait3A_68 = arith.constant 0 : i32
          %dma_wait3A_69 = tpu.memref_slice %arg7[%scan3A_51, %dma_wait3A_68] : memref<20x125xi32, #tpu.memory_space<vmem>> -> memref<1x125xi32, #tpu.memory_space<vmem>>
          %dma_wait3A_70 = tpu.memref_squeeze %dma_wait3A_69 : memref<1x125xi32, #tpu.memory_space<vmem>> -> memref<125xi32, #tpu.memory_space<vmem>>
          %dma_wait3A_71 = arith.constant 0 : i32
          %dma_wait3A_72 = arith.constant 0 : i32
          %dma_wait3A_73 = tpu.memref_slice %arg10[%dma_wait3A_71, %dma_wait3A_72] : memref<10240x144xf32, #tpu.memory_space<vmem_shared>> -> memref<10240x144xf32, #tpu.memory_space<vmem_shared>>
          tpu.wait_indirect_dma semaphore(%run_scoped3A : memref<!tpu.dma_semaphore, #tpu.memory_space<semaphore_mem>>) src(%arg8 : memref<125x144xf32, #tpu.memory_space<vmem>>) dst(%dma_wait3A_73 : memref<10240x144xf32, #tpu.memory_space<vmem_shared>>)
          tpu.yield
        }) : () -> ()
      }
      %scan3A_50 = arith.constant 20 : i32
    }
    %scan3A_17 = arith.constant 4 : i32
    %barrier3A_18 = arith.constant 0 : index
    tpu.barrier barrier_id(%barrier3A_18)
    %mul3A_19 = arith.constant 640 : i32
    %mul3A_20 = arith.muli %arg1, %mul3A_19 : i32
    %add3A_21 = arith.constant 0 : i32
    %add3A_22 = arith.addi %mul3A_20, %add3A_21 : i32
    "tpu.region"() ({
      %run_scoped3A = tpu.sem_alloc : memref<!tpu.dma_semaphore, #tpu.memory_space<semaphore_mem>>
      %dma_start3A = arith.constant 0 : i32
      %dma_start3A_39 = tpu.memref_slice %arg5[%arg0, %add3A_22, %dma_start3A] : memref<2x10240x144xf32, #tpu.memory_space<hbm>> -> memref<1x128x144xf32, #tpu.memory_space<hbm>>
      %dma_start3A_40 = tpu.memref_squeeze %dma_start3A_39 : memref<1x128x144xf32, #tpu.memory_space<hbm>> -> memref<128x144xf32, #tpu.memory_space<hbm>>
      %dma_start3A_41 = arith.constant 0 : i32
      %dma_start3A_42 = tpu.memref_slice %arg10[%add3A_22, %dma_start3A_41] : memref<10240x144xf32, #tpu.memory_space<vmem_shared>> -> memref<128x144xf32, #tpu.memory_space<vmem_shared>>
      tpu.enqueue_dma source(%dma_start3A_42 : memref<128x144xf32, #tpu.memory_space<vmem_shared>>) target(%dma_start3A_40 : memref<128x144xf32, #tpu.memory_space<hbm>>) target_semaphore(%run_scoped3A : memref<!tpu.dma_semaphore, #tpu.memory_space<semaphore_mem>>)
      %dma_wait3A = arith.constant 0 : i32
      %dma_wait3A_43 = tpu.memref_slice %arg5[%arg0, %add3A_22, %dma_wait3A] : memref<2x10240x144xf32, #tpu.memory_space<hbm>> -> memref<1x128x144xf32, #tpu.memory_space<hbm>>
      %dma_wait3A_44 = tpu.memref_squeeze %dma_wait3A_43 : memref<1x128x144xf32, #tpu.memory_space<hbm>> -> memref<128x144xf32, #tpu.memory_space<hbm>>
      %dma_wait3A_45 = arith.constant 0 : i32
      %dma_wait3A_46 = tpu.memref_slice %arg10[%add3A_22, %dma_wait3A_45] : memref<10240x144xf32, #tpu.memory_space<vmem_shared>> -> memref<128x144xf32, #tpu.memory_space<vmem_shared>>
      tpu.wait_dma2 semaphore(%run_scoped3A : memref<!tpu.dma_semaphore, #tpu.memory_space<semaphore_mem>>) src(%dma_wait3A_46 : memref<128x144xf32, #tpu.memory_space<vmem_shared>>) dst(%dma_wait3A_44 : memref<128x144xf32, #tpu.memory_space<hbm>>)
      tpu.yield
    }) : () -> ()
    %mul3A_23 = arith.constant 640 : i32
    %mul3A_24 = arith.muli %arg1, %mul3A_23 : i32
    %add3A_25 = arith.constant 128 : i32
    %add3A_26 = arith.addi %mul3A_24, %add3A_25 : i32
    "tpu.region"() ({
      %run_scoped3A = tpu.sem_alloc : memref<!tpu.dma_semaphore, #tpu.memory_space<semaphore_mem>>
      %dma_start3A = arith.constant 0 : i32
      %dma_start3A_39 = tpu.memref_slice %arg5[%arg0, %add3A_26, %dma_start3A] : memref<2x10240x144xf32, #tpu.memory_space<hbm>> -> memref<1x128x144xf32, #tpu.memory_space<hbm>>
      %dma_start3A_40 = tpu.memref_squeeze %dma_start3A_39 : memref<1x128x144xf32, #tpu.memory_space<hbm>> -> memref<128x144xf32, #tpu.memory_space<hbm>>
      %dma_start3A_41 = arith.constant 0 : i32
      %dma_start3A_42 = tpu.memref_slice %arg10[%add3A_26, %dma_start3A_41] : memref<10240x144xf32, #tpu.memory_space<vmem_shared>> -> memref<128x144xf32, #tpu.memory_space<vmem_shared>>
      tpu.enqueue_dma source(%dma_start3A_42 : memref<128x144xf32, #tpu.memory_space<vmem_shared>>) target(%dma_start3A_40 : memref<128x144xf32, #tpu.memory_space<hbm>>) target_semaphore(%run_scoped3A : memref<!tpu.dma_semaphore, #tpu.memory_space<semaphore_mem>>)
      %dma_wait3A = arith.constant 0 : i32
      %dma_wait3A_43 = tpu.memref_slice %arg5[%arg0, %add3A_26, %dma_wait3A] : memref<2x10240x144xf32, #tpu.memory_space<hbm>> -> memref<1x128x144xf32, #tpu.memory_space<hbm>>
      %dma_wait3A_44 = tpu.memref_squeeze %dma_wait3A_43 : memref<1x128x144xf32, #tpu.memory_space<hbm>> -> memref<128x144xf32, #tpu.memory_space<hbm>>
      %dma_wait3A_45 = arith.constant 0 : i32
      %dma_wait3A_46 = tpu.memref_slice %arg10[%add3A_26, %dma_wait3A_45] : memref<10240x144xf32, #tpu.memory_space<vmem_shared>> -> memref<128x144xf32, #tpu.memory_space<vmem_shared>>
      tpu.wait_dma2 semaphore(%run_scoped3A : memref<!tpu.dma_semaphore, #tpu.memory_space<semaphore_mem>>) src(%dma_wait3A_46 : memref<128x144xf32, #tpu.memory_space<vmem_shared>>) dst(%dma_wait3A_44 : memref<128x144xf32, #tpu.memory_space<hbm>>)
      tpu.yield
    }) : () -> ()
    %mul3A_27 = arith.constant 640 : i32
    %mul3A_28 = arith.muli %arg1, %mul3A_27 : i32
    %add3A_29 = arith.constant 256 : i32
    %add3A_30 = arith.addi %mul3A_28, %add3A_29 : i32
    "tpu.region"() ({
      %run_scoped3A = tpu.sem_alloc : memref<!tpu.dma_semaphore, #tpu.memory_space<semaphore_mem>>
      %dma_start3A = arith.constant 0 : i32
      %dma_start3A_39 = tpu.memref_slice %arg5[%arg0, %add3A_30, %dma_start3A] : memref<2x10240x144xf32, #tpu.memory_space<hbm>> -> memref<1x128x144xf32, #tpu.memory_space<hbm>>
      %dma_start3A_40 = tpu.memref_squeeze %dma_start3A_39 : memref<1x128x144xf32, #tpu.memory_space<hbm>> -> memref<128x144xf32, #tpu.memory_space<hbm>>
      %dma_start3A_41 = arith.constant 0 : i32
      %dma_start3A_42 = tpu.memref_slice %arg10[%add3A_30, %dma_start3A_41] : memref<10240x144xf32, #tpu.memory_space<vmem_shared>> -> memref<128x144xf32, #tpu.memory_space<vmem_shared>>
      tpu.enqueue_dma source(%dma_start3A_42 : memref<128x144xf32, #tpu.memory_space<vmem_shared>>) target(%dma_start3A_40 : memref<128x144xf32, #tpu.memory_space<hbm>>) target_semaphore(%run_scoped3A : memref<!tpu.dma_semaphore, #tpu.memory_space<semaphore_mem>>)
      %dma_wait3A = arith.constant 0 : i32
      %dma_wait3A_43 = tpu.memref_slice %arg5[%arg0, %add3A_30, %dma_wait3A] : memref<2x10240x144xf32, #tpu.memory_space<hbm>> -> memref<1x128x144xf32, #tpu.memory_space<hbm>>
      %dma_wait3A_44 = tpu.memref_squeeze %dma_wait3A_43 : memref<1x128x144xf32, #tpu.memory_space<hbm>> -> memref<128x144xf32, #tpu.memory_space<hbm>>
      %dma_wait3A_45 = arith.constant 0 : i32
      %dma_wait3A_46 = tpu.memref_slice %arg10[%add3A_30, %dma_wait3A_45] : memref<10240x144xf32, #tpu.memory_space<vmem_shared>> -> memref<128x144xf32, #tpu.memory_space<vmem_shared>>
      tpu.wait_dma2 semaphore(%run_scoped3A : memref<!tpu.dma_semaphore, #tpu.memory_space<semaphore_mem>>) src(%dma_wait3A_46 : memref<128x144xf32, #tpu.memory_space<vmem_shared>>) dst(%dma_wait3A_44 : memref<128x144xf32, #tpu.memory_space<hbm>>)
      tpu.yield
    }) : () -> ()
    %mul3A_31 = arith.constant 640 : i32
    %mul3A_32 = arith.muli %arg1, %mul3A_31 : i32
    %add3A_33 = arith.constant 384 : i32
    %add3A_34 = arith.addi %mul3A_32, %add3A_33 : i32
    "tpu.region"() ({
      %run_scoped3A = tpu.sem_alloc : memref<!tpu.dma_semaphore, #tpu.memory_space<semaphore_mem>>
      %dma_start3A = arith.constant 0 : i32
      %dma_start3A_39 = tpu.memref_slice %arg5[%arg0, %add3A_34, %dma_start3A] : memref<2x10240x144xf32, #tpu.memory_space<hbm>> -> memref<1x128x144xf32, #tpu.memory_space<hbm>>
      %dma_start3A_40 = tpu.memref_squeeze %dma_start3A_39 : memref<1x128x144xf32, #tpu.memory_space<hbm>> -> memref<128x144xf32, #tpu.memory_space<hbm>>
      %dma_start3A_41 = arith.constant 0 : i32
      %dma_start3A_42 = tpu.memref_slice %arg10[%add3A_34, %dma_start3A_41] : memref<10240x144xf32, #tpu.memory_space<vmem_shared>> -> memref<128x144xf32, #tpu.memory_space<vmem_shared>>
      tpu.enqueue_dma source(%dma_start3A_42 : memref<128x144xf32, #tpu.memory_space<vmem_shared>>) target(%dma_start3A_40 : memref<128x144xf32, #tpu.memory_space<hbm>>) target_semaphore(%run_scoped3A : memref<!tpu.dma_semaphore, #tpu.memory_space<semaphore_mem>>)
      %dma_wait3A = arith.constant 0 : i32
      %dma_wait3A_43 = tpu.memref_slice %arg5[%arg0, %add3A_34, %dma_wait3A] : memref<2x10240x144xf32, #tpu.memory_space<hbm>> -> memref<1x128x144xf32, #tpu.memory_space<hbm>>
      %dma_wait3A_44 = tpu.memref_squeeze %dma_wait3A_43 : memref<1x128x144xf32, #tpu.memory_space<hbm>> -> memref<128x144xf32, #tpu.memory_space<hbm>>
      %dma_wait3A_45 = arith.constant 0 : i32
      %dma_wait3A_46 = tpu.memref_slice %arg10[%add3A_34, %dma_wait3A_45] : memref<10240x144xf32, #tpu.memory_space<vmem_shared>> -> memref<128x144xf32, #tpu.memory_space<vmem_shared>>
      tpu.wait_dma2 semaphore(%run_scoped3A : memref<!tpu.dma_semaphore, #tpu.memory_space<semaphore_mem>>) src(%dma_wait3A_46 : memref<128x144xf32, #tpu.memory_space<vmem_shared>>) dst(%dma_wait3A_44 : memref<128x144xf32, #tpu.memory_space<hbm>>)
      tpu.yield
    }) : () -> ()
    %mul3A_35 = arith.constant 640 : i32
    %mul3A_36 = arith.muli %arg1, %mul3A_35 : i32
    %add3A_37 = arith.constant 512 : i32
    %add3A_38 = arith.addi %mul3A_36, %add3A_37 : i32
    "tpu.region"() ({
      %run_scoped3A = tpu.sem_alloc : memref<!tpu.dma_semaphore, #tpu.memory_space<semaphore_mem>>
      %dma_start3A = arith.constant 0 : i32
      %dma_start3A_39 = tpu.memref_slice %arg5[%arg0, %add3A_38, %dma_start3A] : memref<2x10240x144xf32, #tpu.memory_space<hbm>> -> memref<1x128x144xf32, #tpu.memory_space<hbm>>
      %dma_start3A_40 = tpu.memref_squeeze %dma_start3A_39 : memref<1x128x144xf32, #tpu.memory_space<hbm>> -> memref<128x144xf32, #tpu.memory_space<hbm>>
      %dma_start3A_41 = arith.constant 0 : i32
      %dma_start3A_42 = tpu.memref_slice %arg10[%add3A_38, %dma_start3A_41] : memref<10240x144xf32, #tpu.memory_space<vmem_shared>> -> memref<128x144xf32, #tpu.memory_space<vmem_shared>>
      tpu.enqueue_dma source(%dma_start3A_42 : memref<128x144xf32, #tpu.memory_space<vmem_shared>>) target(%dma_start3A_40 : memref<128x144xf32, #tpu.memory_space<hbm>>) target_semaphore(%run_scoped3A : memref<!tpu.dma_semaphore, #tpu.memory_space<semaphore_mem>>)
      %dma_wait3A = arith.constant 0 : i32
      %dma_wait3A_43 = tpu.memref_slice %arg5[%arg0, %add3A_38, %dma_wait3A] : memref<2x10240x144xf32, #tpu.memory_space<hbm>> -> memref<1x128x144xf32, #tpu.memory_space<hbm>>
      %dma_wait3A_44 = tpu.memref_squeeze %dma_wait3A_43 : memref<1x128x144xf32, #tpu.memory_space<hbm>> -> memref<128x144xf32, #tpu.memory_space<hbm>>
      %dma_wait3A_45 = arith.constant 0 : i32
      %dma_wait3A_46 = tpu.memref_slice %arg10[%add3A_38, %dma_wait3A_45] : memref<10240x144xf32, #tpu.memory_space<vmem_shared>> -> memref<128x144xf32, #tpu.memory_space<vmem_shared>>
      tpu.wait_dma2 semaphore(%run_scoped3A : memref<!tpu.dma_semaphore, #tpu.memory_space<semaphore_mem>>) src(%dma_wait3A_46 : memref<128x144xf32, #tpu.memory_space<vmem_shared>>) dst(%dma_wait3A_44 : memref<128x144xf32, #tpu.memory_space<hbm>>)
      tpu.yield
    }) : () -> ()
    return
  }
}

#map = affine_map<(d0, d1) -> (0, 0)>
#map1 = affine_map<(d0, d1) -> (0, 0, 0)>
module attributes {stable_mosaic.version = 14 : i64} {
  func.func @sc_agg(%arg0: i32, %arg1: i32, %arg2: memref<10000x128xf32, #tpu.memory_space<hbm>>, %arg3: memref<2560x125xi32, #tpu.memory_space<hbm>>, %arg4: memref<2560x125xi32, #tpu.memory_space<hbm>>, %arg5: memref<2x10240x128xf32, #tpu.memory_space<hbm>>, %arg6: memref<20x125xi32, #tpu.memory_space<vmem>>, %arg7: memref<20x125xi32, #tpu.memory_space<vmem>>, %arg8: memref<125x128xf32, #tpu.memory_space<vmem>>, %arg9: memref<16x128xf32, #tpu.memory_space<vmem>>, %arg10: memref<10240x128xf32, #tpu.memory_space<vmem_shared>>, %arg11: memref<!tpu.dma_semaphore, #tpu.memory_space<semaphore_mem>>) attributes {dimension_semantics = [#tpu.dimension_semantics<core_parallel>, #tpu.dimension_semantics<subcore_parallel>], iteration_bounds = array<i64: 2, 16>, scalar_prefetch = 0 : i64, scratch_operands = 6 : i64, tpu.core_type = #tpu.core_type<sc_vector_subcore>, window_params = [{transform_indices = #map}, {transform_indices = #map}, {transform_indices = #map}, {transform_indices = #map1}]} {
    %mul3A = arith.constant 2 : i32
    %mul3A_0 = arith.muli %arg1, %mul3A : i32
    %add3A = arith.addi %mul3A_0, %arg0 : i32
    %scan3A = arith.constant 0 : i32
    %scan3A_1 = arith.constant 0 : i32
    %scan3A_2 = arith.constant 16 : i32
    %scan3A_3 = arith.addi %scan3A_1, %scan3A_2 : i32
    %scan3A_4 = arith.constant 1 : i32
    scf.for %scan3A_39 = %scan3A_1 to %scan3A_3 step %scan3A_4  : i32 {
      %broadcast_in_dim3A = arith.constant 0.000000e+00 : f32
      %broadcast_in_dim3A_40 = vector.broadcast %broadcast_in_dim3A : f32 to vector<16xf32>
      %swap3A = arith.index_cast %scan3A_39 : i32 to index
      %swap3A_41 = arith.constant 0 : index
      %swap3A_42 = tpu.vector_load %arg9[%swap3A, %swap3A_41] {strides = array<i32>} : memref<16x128xf32, #tpu.memory_space<vmem>>, vector<1x16xf32>,
      %swap3A_43 = vector.shape_cast %swap3A_42 : vector<1x16xf32> to vector<16xf32>
      %swap3A_44 = vector.shape_cast %broadcast_in_dim3A_40 : vector<16xf32> to vector<1x16xf32>
      tpu.vector_store %arg9[%swap3A, %swap3A_41], %swap3A_44 {strides = array<i32>} : memref<16x128xf32, #tpu.memory_space<vmem>>, vector<1x16xf32>,
      %broadcast_in_dim3A_45 = arith.constant 0.000000e+00 : f32
      %broadcast_in_dim3A_46 = vector.broadcast %broadcast_in_dim3A_45 : f32 to vector<16xf32>
      %swap3A_47 = arith.index_cast %scan3A_39 : i32 to index
      %swap3A_48 = arith.constant 16 : index
      %swap3A_49 = tpu.vector_load %arg9[%swap3A_47, %swap3A_48] {strides = array<i32>} : memref<16x128xf32, #tpu.memory_space<vmem>>, vector<1x16xf32>,
      %swap3A_50 = vector.shape_cast %swap3A_49 : vector<1x16xf32> to vector<16xf32>
      %swap3A_51 = vector.shape_cast %broadcast_in_dim3A_46 : vector<16xf32> to vector<1x16xf32>
      tpu.vector_store %arg9[%swap3A_47, %swap3A_48], %swap3A_51 {strides = array<i32>} : memref<16x128xf32, #tpu.memory_space<vmem>>, vector<1x16xf32>,
      %broadcast_in_dim3A_52 = arith.constant 0.000000e+00 : f32
      %broadcast_in_dim3A_53 = vector.broadcast %broadcast_in_dim3A_52 : f32 to vector<16xf32>
      %swap3A_54 = arith.index_cast %scan3A_39 : i32 to index
      %swap3A_55 = arith.constant 32 : index
      %swap3A_56 = tpu.vector_load %arg9[%swap3A_54, %swap3A_55] {strides = array<i32>} : memref<16x128xf32, #tpu.memory_space<vmem>>, vector<1x16xf32>,
      %swap3A_57 = vector.shape_cast %swap3A_56 : vector<1x16xf32> to vector<16xf32>
      %swap3A_58 = vector.shape_cast %broadcast_in_dim3A_53 : vector<16xf32> to vector<1x16xf32>
      tpu.vector_store %arg9[%swap3A_54, %swap3A_55], %swap3A_58 {strides = array<i32>} : memref<16x128xf32, #tpu.memory_space<vmem>>, vector<1x16xf32>,
      %broadcast_in_dim3A_59 = arith.constant 0.000000e+00 : f32
      %broadcast_in_dim3A_60 = vector.broadcast %broadcast_in_dim3A_59 : f32 to vector<16xf32>
      %swap3A_61 = arith.index_cast %scan3A_39 : i32 to index
      %swap3A_62 = arith.constant 48 : index
      %swap3A_63 = tpu.vector_load %arg9[%swap3A_61, %swap3A_62] {strides = array<i32>} : memref<16x128xf32, #tpu.memory_space<vmem>>, vector<1x16xf32>,
      %swap3A_64 = vector.shape_cast %swap3A_63 : vector<1x16xf32> to vector<16xf32>
      %swap3A_65 = vector.shape_cast %broadcast_in_dim3A_60 : vector<16xf32> to vector<1x16xf32>
      tpu.vector_store %arg9[%swap3A_61, %swap3A_62], %swap3A_65 {strides = array<i32>} : memref<16x128xf32, #tpu.memory_space<vmem>>, vector<1x16xf32>,
      %broadcast_in_dim3A_66 = arith.constant 0.000000e+00 : f32
      %broadcast_in_dim3A_67 = vector.broadcast %broadcast_in_dim3A_66 : f32 to vector<16xf32>
      %swap3A_68 = arith.index_cast %scan3A_39 : i32 to index
      %swap3A_69 = arith.constant 64 : index
      %swap3A_70 = tpu.vector_load %arg9[%swap3A_68, %swap3A_69] {strides = array<i32>} : memref<16x128xf32, #tpu.memory_space<vmem>>, vector<1x16xf32>,
      %swap3A_71 = vector.shape_cast %swap3A_70 : vector<1x16xf32> to vector<16xf32>
      %swap3A_72 = vector.shape_cast %broadcast_in_dim3A_67 : vector<16xf32> to vector<1x16xf32>
      tpu.vector_store %arg9[%swap3A_68, %swap3A_69], %swap3A_72 {strides = array<i32>} : memref<16x128xf32, #tpu.memory_space<vmem>>, vector<1x16xf32>,
      %broadcast_in_dim3A_73 = arith.constant 0.000000e+00 : f32
      %broadcast_in_dim3A_74 = vector.broadcast %broadcast_in_dim3A_73 : f32 to vector<16xf32>
      %swap3A_75 = arith.index_cast %scan3A_39 : i32 to index
      %swap3A_76 = arith.constant 80 : index
      %swap3A_77 = tpu.vector_load %arg9[%swap3A_75, %swap3A_76] {strides = array<i32>} : memref<16x128xf32, #tpu.memory_space<vmem>>, vector<1x16xf32>,
      %swap3A_78 = vector.shape_cast %swap3A_77 : vector<1x16xf32> to vector<16xf32>
      %swap3A_79 = vector.shape_cast %broadcast_in_dim3A_74 : vector<16xf32> to vector<1x16xf32>
      tpu.vector_store %arg9[%swap3A_75, %swap3A_76], %swap3A_79 {strides = array<i32>} : memref<16x128xf32, #tpu.memory_space<vmem>>, vector<1x16xf32>,
      %broadcast_in_dim3A_80 = arith.constant 0.000000e+00 : f32
      %broadcast_in_dim3A_81 = vector.broadcast %broadcast_in_dim3A_80 : f32 to vector<16xf32>
      %swap3A_82 = arith.index_cast %scan3A_39 : i32 to index
      %swap3A_83 = arith.constant 96 : index
      %swap3A_84 = tpu.vector_load %arg9[%swap3A_82, %swap3A_83] {strides = array<i32>} : memref<16x128xf32, #tpu.memory_space<vmem>>, vector<1x16xf32>,
      %swap3A_85 = vector.shape_cast %swap3A_84 : vector<1x16xf32> to vector<16xf32>
      %swap3A_86 = vector.shape_cast %broadcast_in_dim3A_81 : vector<16xf32> to vector<1x16xf32>
      tpu.vector_store %arg9[%swap3A_82, %swap3A_83], %swap3A_86 {strides = array<i32>} : memref<16x128xf32, #tpu.memory_space<vmem>>, vector<1x16xf32>,
      %broadcast_in_dim3A_87 = arith.constant 0.000000e+00 : f32
      %broadcast_in_dim3A_88 = vector.broadcast %broadcast_in_dim3A_87 : f32 to vector<16xf32>
      %swap3A_89 = arith.index_cast %scan3A_39 : i32 to index
      %swap3A_90 = arith.constant 112 : index
      %swap3A_91 = tpu.vector_load %arg9[%swap3A_89, %swap3A_90] {strides = array<i32>} : memref<16x128xf32, #tpu.memory_space<vmem>>, vector<1x16xf32>,
      %swap3A_92 = vector.shape_cast %swap3A_91 : vector<1x16xf32> to vector<16xf32>
      %swap3A_93 = vector.shape_cast %broadcast_in_dim3A_88 : vector<16xf32> to vector<1x16xf32>
      tpu.vector_store %arg9[%swap3A_89, %swap3A_90], %swap3A_93 {strides = array<i32>} : memref<16x128xf32, #tpu.memory_space<vmem>>, vector<1x16xf32>,
    }
    %scan3A_5 = arith.constant 16 : i32
    %scan3A_6 = arith.constant 0 : i32
    %scan3A_7 = arith.constant 0 : i32
    %scan3A_8 = arith.constant 40 : i32
    %scan3A_9 = arith.addi %scan3A_7, %scan3A_8 : i32
    %scan3A_10 = arith.constant 1 : i32
    scf.for %scan3A_39 = %scan3A_7 to %scan3A_9 step %scan3A_10  : i32 {
      %mul3A_40 = arith.constant 640 : i32
      %mul3A_41 = arith.muli %arg1, %mul3A_40 : i32
      %mul3A_42 = arith.constant 16 : i32
      %mul3A_43 = arith.muli %scan3A_39, %mul3A_42 : i32
      %add3A_44 = arith.addi %mul3A_41, %mul3A_43 : i32
      "tpu.region"() ({
        %run_scoped3A = tpu.sem_alloc : memref<!tpu.dma_semaphore, #tpu.memory_space<semaphore_mem>>
        %dma_start3A = arith.constant 0 : i32
        %dma_start3A_45 = tpu.memref_slice %arg10[%add3A_44, %dma_start3A] : memref<10240x128xf32, #tpu.memory_space<vmem_shared>> -> memref<16x128xf32, #tpu.memory_space<vmem_shared>>
        %dma_start3A_46 = arith.constant 0 : i32
        %dma_start3A_47 = tpu.memref_slice %arg10[%add3A_44, %dma_start3A_46] : memref<10240x128xf32, #tpu.memory_space<vmem_shared>> -> memref<16x128xf32, #tpu.memory_space<vmem_shared>>
        tpu.enqueue_dma source(%arg9 : memref<16x128xf32, #tpu.memory_space<vmem>>) target(%dma_start3A_47 : memref<16x128xf32, #tpu.memory_space<vmem_shared>>) target_semaphore(%run_scoped3A : memref<!tpu.dma_semaphore, #tpu.memory_space<semaphore_mem>>)
        %dma_wait3A = arith.constant 0 : i32
        %dma_wait3A_48 = tpu.memref_slice %arg10[%add3A_44, %dma_wait3A] : memref<10240x128xf32, #tpu.memory_space<vmem_shared>> -> memref<16x128xf32, #tpu.memory_space<vmem_shared>>
        %dma_wait3A_49 = arith.constant 0 : i32
        %dma_wait3A_50 = tpu.memref_slice %arg10[%add3A_44, %dma_wait3A_49] : memref<10240x128xf32, #tpu.memory_space<vmem_shared>> -> memref<16x128xf32, #tpu.memory_space<vmem_shared>>
        tpu.wait_dma2 semaphore(%run_scoped3A : memref<!tpu.dma_semaphore, #tpu.memory_space<semaphore_mem>>) src(%arg9 : memref<16x128xf32, #tpu.memory_space<vmem>>) dst(%dma_wait3A_50 : memref<16x128xf32, #tpu.memory_space<vmem_shared>>)
        tpu.yield
      }) : () -> ()
    }
    %scan3A_11 = arith.constant 40 : i32
    %barrier3A = arith.constant 0 : index
    tpu.barrier barrier_id(%barrier3A)
    %scan3A_12 = arith.constant 0 : i32
    %scan3A_13 = arith.constant 0 : i32
    %scan3A_14 = arith.constant 4 : i32
    %scan3A_15 = arith.addi %scan3A_13, %scan3A_14 : i32
    %scan3A_16 = arith.constant 1 : i32
    scf.for %scan3A_39 = %scan3A_13 to %scan3A_15 step %scan3A_16  : i32 {
      %mul3A_40 = arith.constant 80 : i32
      %mul3A_41 = arith.muli %add3A, %mul3A_40 : i32
      %mul3A_42 = arith.constant 20 : i32
      %mul3A_43 = arith.muli %scan3A_39, %mul3A_42 : i32
      %add3A_44 = arith.addi %mul3A_41, %mul3A_43 : i32
      "tpu.region"() ({
        %run_scoped3A = tpu.sem_alloc : memref<!tpu.dma_semaphore, #tpu.memory_space<semaphore_mem>>
        %dma_start3A = arith.constant 0 : i32
        %dma_start3A_51 = tpu.memref_slice %arg3[%add3A_44, %dma_start3A] : memref<2560x125xi32, #tpu.memory_space<hbm>> -> memref<20x125xi32, #tpu.memory_space<hbm>>
        %dma_start3A_52 = arith.constant 0 : i32
        %dma_start3A_53 = tpu.memref_slice %arg3[%add3A_44, %dma_start3A_52] : memref<2560x125xi32, #tpu.memory_space<hbm>> -> memref<20x125xi32, #tpu.memory_space<hbm>>
        tpu.enqueue_dma source(%dma_start3A_53 : memref<20x125xi32, #tpu.memory_space<hbm>>) target(%arg6 : memref<20x125xi32, #tpu.memory_space<vmem>>) target_semaphore(%run_scoped3A : memref<!tpu.dma_semaphore, #tpu.memory_space<semaphore_mem>>)
        %dma_wait3A = arith.constant 0 : i32
        %dma_wait3A_54 = tpu.memref_slice %arg3[%add3A_44, %dma_wait3A] : memref<2560x125xi32, #tpu.memory_space<hbm>> -> memref<20x125xi32, #tpu.memory_space<hbm>>
        %dma_wait3A_55 = arith.constant 0 : i32
        %dma_wait3A_56 = tpu.memref_slice %arg3[%add3A_44, %dma_wait3A_55] : memref<2560x125xi32, #tpu.memory_space<hbm>> -> memref<20x125xi32, #tpu.memory_space<hbm>>
        tpu.wait_dma2 semaphore(%run_scoped3A : memref<!tpu.dma_semaphore, #tpu.memory_space<semaphore_mem>>) src(%dma_wait3A_56 : memref<20x125xi32, #tpu.memory_space<hbm>>) dst(%arg6 : memref<20x125xi32, #tpu.memory_space<vmem>>)
        tpu.yield
      }) : () -> ()
      "tpu.region"() ({
        %run_scoped3A = tpu.sem_alloc : memref<!tpu.dma_semaphore, #tpu.memory_space<semaphore_mem>>
        %dma_start3A = arith.constant 0 : i32
        %dma_start3A_51 = tpu.memref_slice %arg4[%add3A_44, %dma_start3A] : memref<2560x125xi32, #tpu.memory_space<hbm>> -> memref<20x125xi32, #tpu.memory_space<hbm>>
        %dma_start3A_52 = arith.constant 0 : i32
        %dma_start3A_53 = tpu.memref_slice %arg4[%add3A_44, %dma_start3A_52] : memref<2560x125xi32, #tpu.memory_space<hbm>> -> memref<20x125xi32, #tpu.memory_space<hbm>>
        tpu.enqueue_dma source(%dma_start3A_53 : memref<20x125xi32, #tpu.memory_space<hbm>>) target(%arg7 : memref<20x125xi32, #tpu.memory_space<vmem>>) target_semaphore(%run_scoped3A : memref<!tpu.dma_semaphore, #tpu.memory_space<semaphore_mem>>)
        %dma_wait3A = arith.constant 0 : i32
        %dma_wait3A_54 = tpu.memref_slice %arg4[%add3A_44, %dma_wait3A] : memref<2560x125xi32, #tpu.memory_space<hbm>> -> memref<20x125xi32, #tpu.memory_space<hbm>>
        %dma_wait3A_55 = arith.constant 0 : i32
        %dma_wait3A_56 = tpu.memref_slice %arg4[%add3A_44, %dma_wait3A_55] : memref<2560x125xi32, #tpu.memory_space<hbm>> -> memref<20x125xi32, #tpu.memory_space<hbm>>
        tpu.wait_dma2 semaphore(%run_scoped3A : memref<!tpu.dma_semaphore, #tpu.memory_space<semaphore_mem>>) src(%dma_wait3A_56 : memref<20x125xi32, #tpu.memory_space<hbm>>) dst(%arg7 : memref<20x125xi32, #tpu.memory_space<vmem>>)
        tpu.yield
      }) : () -> ()
      %scan3A_45 = arith.constant 0 : i32
      %scan3A_46 = arith.constant 0 : i32
      %scan3A_47 = arith.constant 20 : i32
      %scan3A_48 = arith.addi %scan3A_46, %scan3A_47 : i32
      %scan3A_49 = arith.constant 1 : i32
      scf.for %scan3A_51 = %scan3A_46 to %scan3A_48 step %scan3A_49  : i32 {
        %dma_start3A = arith.constant 0 : i32
        %dma_start3A_52 = tpu.memref_slice %arg6[%scan3A_51, %dma_start3A] : memref<20x125xi32, #tpu.memory_space<vmem>> -> memref<1x125xi32, #tpu.memory_space<vmem>>
        %dma_start3A_53 = tpu.memref_squeeze %dma_start3A_52 : memref<1x125xi32, #tpu.memory_space<vmem>> -> memref<125xi32, #tpu.memory_space<vmem>>
        %dma_start3A_54 = arith.constant 0 : i32
        %dma_start3A_55 = arith.constant 0 : i32
        %dma_start3A_56 = tpu.memref_slice %arg2[%dma_start3A_54, %dma_start3A_55] : memref<10000x128xf32, #tpu.memory_space<hbm>> -> memref<10000x128xf32, #tpu.memory_space<hbm>>
        tpu.enqueue_indirect_dma source(%dma_start3A_56 : memref<10000x128xf32, #tpu.memory_space<hbm>>) target(%arg8 : memref<125x128xf32, #tpu.memory_space<vmem>>) offsets(%dma_start3A_53 : memref<125xi32, #tpu.memory_space<vmem>>) semaphore(%arg11 : memref<!tpu.dma_semaphore, #tpu.memory_space<semaphore_mem>>)
        %dma_wait3A = arith.constant 0 : i32
        %dma_wait3A_57 = tpu.memref_slice %arg6[%scan3A_51, %dma_wait3A] : memref<20x125xi32, #tpu.memory_space<vmem>> -> memref<1x125xi32, #tpu.memory_space<vmem>>
        %dma_wait3A_58 = tpu.memref_squeeze %dma_wait3A_57 : memref<1x125xi32, #tpu.memory_space<vmem>> -> memref<125xi32, #tpu.memory_space<vmem>>
        %dma_wait3A_59 = arith.constant 0 : i32
        %dma_wait3A_60 = arith.constant 0 : i32
        %dma_wait3A_61 = tpu.memref_slice %arg2[%dma_wait3A_59, %dma_wait3A_60] : memref<10000x128xf32, #tpu.memory_space<hbm>> -> memref<10000x128xf32, #tpu.memory_space<hbm>>
        tpu.wait_indirect_dma semaphore(%arg11 : memref<!tpu.dma_semaphore, #tpu.memory_space<semaphore_mem>>) src(%dma_wait3A_61 : memref<10000x128xf32, #tpu.memory_space<hbm>>) dst(%arg8 : memref<125x128xf32, #tpu.memory_space<vmem>>)
        "tpu.region"() ({
          %run_scoped3A = tpu.sem_alloc : memref<!tpu.dma_semaphore, #tpu.memory_space<semaphore_mem>>
          %dma_start3A_62 = arith.constant 0 : i32
          %dma_start3A_63 = tpu.memref_slice %arg7[%scan3A_51, %dma_start3A_62] : memref<20x125xi32, #tpu.memory_space<vmem>> -> memref<1x125xi32, #tpu.memory_space<vmem>>
          %dma_start3A_64 = tpu.memref_squeeze %dma_start3A_63 : memref<1x125xi32, #tpu.memory_space<vmem>> -> memref<125xi32, #tpu.memory_space<vmem>>
          %dma_start3A_65 = arith.constant 0 : i32
          %dma_start3A_66 = arith.constant 0 : i32
          %dma_start3A_67 = tpu.memref_slice %arg10[%dma_start3A_65, %dma_start3A_66] : memref<10240x128xf32, #tpu.memory_space<vmem_shared>> -> memref<10240x128xf32, #tpu.memory_space<vmem_shared>>
          tpu.enqueue_indirect_dma source(%arg8 : memref<125x128xf32, #tpu.memory_space<vmem>>) target(%dma_start3A_67 : memref<10240x128xf32, #tpu.memory_space<vmem_shared>>) offsets(%dma_start3A_64 : memref<125xi32, #tpu.memory_space<vmem>>) semaphore(%run_scoped3A : memref<!tpu.dma_semaphore, #tpu.memory_space<semaphore_mem>>) {add = true}
          %dma_wait3A_68 = arith.constant 0 : i32
          %dma_wait3A_69 = tpu.memref_slice %arg7[%scan3A_51, %dma_wait3A_68] : memref<20x125xi32, #tpu.memory_space<vmem>> -> memref<1x125xi32, #tpu.memory_space<vmem>>
          %dma_wait3A_70 = tpu.memref_squeeze %dma_wait3A_69 : memref<1x125xi32, #tpu.memory_space<vmem>> -> memref<125xi32, #tpu.memory_space<vmem>>
          %dma_wait3A_71 = arith.constant 0 : i32
          %dma_wait3A_72 = arith.constant 0 : i32
          %dma_wait3A_73 = tpu.memref_slice %arg10[%dma_wait3A_71, %dma_wait3A_72] : memref<10240x128xf32, #tpu.memory_space<vmem_shared>> -> memref<10240x128xf32, #tpu.memory_space<vmem_shared>>
          tpu.wait_indirect_dma semaphore(%run_scoped3A : memref<!tpu.dma_semaphore, #tpu.memory_space<semaphore_mem>>) src(%arg8 : memref<125x128xf32, #tpu.memory_space<vmem>>) dst(%dma_wait3A_73 : memref<10240x128xf32, #tpu.memory_space<vmem_shared>>)
          tpu.yield
        }) : () -> ()
      }
      %scan3A_50 = arith.constant 20 : i32
    }
    %scan3A_17 = arith.constant 4 : i32
    %barrier3A_18 = arith.constant 0 : index
    tpu.barrier barrier_id(%barrier3A_18)
    %mul3A_19 = arith.constant 640 : i32
    %mul3A_20 = arith.muli %arg1, %mul3A_19 : i32
    %add3A_21 = arith.constant 0 : i32
    %add3A_22 = arith.addi %mul3A_20, %add3A_21 : i32
    "tpu.region"() ({
      %run_scoped3A = tpu.sem_alloc : memref<!tpu.dma_semaphore, #tpu.memory_space<semaphore_mem>>
      %dma_start3A = arith.constant 0 : i32
      %dma_start3A_39 = tpu.memref_slice %arg5[%arg0, %add3A_22, %dma_start3A] : memref<2x10240x128xf32, #tpu.memory_space<hbm>> -> memref<1x128x128xf32, #tpu.memory_space<hbm>>
      %dma_start3A_40 = tpu.memref_squeeze %dma_start3A_39 : memref<1x128x128xf32, #tpu.memory_space<hbm>> -> memref<128x128xf32, #tpu.memory_space<hbm>>
      %dma_start3A_41 = arith.constant 0 : i32
      %dma_start3A_42 = tpu.memref_slice %arg10[%add3A_22, %dma_start3A_41] : memref<10240x128xf32, #tpu.memory_space<vmem_shared>> -> memref<128x128xf32, #tpu.memory_space<vmem_shared>>
      tpu.enqueue_dma source(%dma_start3A_42 : memref<128x128xf32, #tpu.memory_space<vmem_shared>>) target(%dma_start3A_40 : memref<128x128xf32, #tpu.memory_space<hbm>>) target_semaphore(%run_scoped3A : memref<!tpu.dma_semaphore, #tpu.memory_space<semaphore_mem>>)
      %dma_wait3A = arith.constant 0 : i32
      %dma_wait3A_43 = tpu.memref_slice %arg5[%arg0, %add3A_22, %dma_wait3A] : memref<2x10240x128xf32, #tpu.memory_space<hbm>> -> memref<1x128x128xf32, #tpu.memory_space<hbm>>
      %dma_wait3A_44 = tpu.memref_squeeze %dma_wait3A_43 : memref<1x128x128xf32, #tpu.memory_space<hbm>> -> memref<128x128xf32, #tpu.memory_space<hbm>>
      %dma_wait3A_45 = arith.constant 0 : i32
      %dma_wait3A_46 = tpu.memref_slice %arg10[%add3A_22, %dma_wait3A_45] : memref<10240x128xf32, #tpu.memory_space<vmem_shared>> -> memref<128x128xf32, #tpu.memory_space<vmem_shared>>
      tpu.wait_dma2 semaphore(%run_scoped3A : memref<!tpu.dma_semaphore, #tpu.memory_space<semaphore_mem>>) src(%dma_wait3A_46 : memref<128x128xf32, #tpu.memory_space<vmem_shared>>) dst(%dma_wait3A_44 : memref<128x128xf32, #tpu.memory_space<hbm>>)
      tpu.yield
    }) : () -> ()
    %mul3A_23 = arith.constant 640 : i32
    %mul3A_24 = arith.muli %arg1, %mul3A_23 : i32
    %add3A_25 = arith.constant 128 : i32
    %add3A_26 = arith.addi %mul3A_24, %add3A_25 : i32
    "tpu.region"() ({
      %run_scoped3A = tpu.sem_alloc : memref<!tpu.dma_semaphore, #tpu.memory_space<semaphore_mem>>
      %dma_start3A = arith.constant 0 : i32
      %dma_start3A_39 = tpu.memref_slice %arg5[%arg0, %add3A_26, %dma_start3A] : memref<2x10240x128xf32, #tpu.memory_space<hbm>> -> memref<1x128x128xf32, #tpu.memory_space<hbm>>
      %dma_start3A_40 = tpu.memref_squeeze %dma_start3A_39 : memref<1x128x128xf32, #tpu.memory_space<hbm>> -> memref<128x128xf32, #tpu.memory_space<hbm>>
      %dma_start3A_41 = arith.constant 0 : i32
      %dma_start3A_42 = tpu.memref_slice %arg10[%add3A_26, %dma_start3A_41] : memref<10240x128xf32, #tpu.memory_space<vmem_shared>> -> memref<128x128xf32, #tpu.memory_space<vmem_shared>>
      tpu.enqueue_dma source(%dma_start3A_42 : memref<128x128xf32, #tpu.memory_space<vmem_shared>>) target(%dma_start3A_40 : memref<128x128xf32, #tpu.memory_space<hbm>>) target_semaphore(%run_scoped3A : memref<!tpu.dma_semaphore, #tpu.memory_space<semaphore_mem>>)
      %dma_wait3A = arith.constant 0 : i32
      %dma_wait3A_43 = tpu.memref_slice %arg5[%arg0, %add3A_26, %dma_wait3A] : memref<2x10240x128xf32, #tpu.memory_space<hbm>> -> memref<1x128x128xf32, #tpu.memory_space<hbm>>
      %dma_wait3A_44 = tpu.memref_squeeze %dma_wait3A_43 : memref<1x128x128xf32, #tpu.memory_space<hbm>> -> memref<128x128xf32, #tpu.memory_space<hbm>>
      %dma_wait3A_45 = arith.constant 0 : i32
      %dma_wait3A_46 = tpu.memref_slice %arg10[%add3A_26, %dma_wait3A_45] : memref<10240x128xf32, #tpu.memory_space<vmem_shared>> -> memref<128x128xf32, #tpu.memory_space<vmem_shared>>
      tpu.wait_dma2 semaphore(%run_scoped3A : memref<!tpu.dma_semaphore, #tpu.memory_space<semaphore_mem>>) src(%dma_wait3A_46 : memref<128x128xf32, #tpu.memory_space<vmem_shared>>) dst(%dma_wait3A_44 : memref<128x128xf32, #tpu.memory_space<hbm>>)
      tpu.yield
    }) : () -> ()
    %mul3A_27 = arith.constant 640 : i32
    %mul3A_28 = arith.muli %arg1, %mul3A_27 : i32
    %add3A_29 = arith.constant 256 : i32
    %add3A_30 = arith.addi %mul3A_28, %add3A_29 : i32
    "tpu.region"() ({
      %run_scoped3A = tpu.sem_alloc : memref<!tpu.dma_semaphore, #tpu.memory_space<semaphore_mem>>
      %dma_start3A = arith.constant 0 : i32
      %dma_start3A_39 = tpu.memref_slice %arg5[%arg0, %add3A_30, %dma_start3A] : memref<2x10240x128xf32, #tpu.memory_space<hbm>> -> memref<1x128x128xf32, #tpu.memory_space<hbm>>
      %dma_start3A_40 = tpu.memref_squeeze %dma_start3A_39 : memref<1x128x128xf32, #tpu.memory_space<hbm>> -> memref<128x128xf32, #tpu.memory_space<hbm>>
      %dma_start3A_41 = arith.constant 0 : i32
      %dma_start3A_42 = tpu.memref_slice %arg10[%add3A_30, %dma_start3A_41] : memref<10240x128xf32, #tpu.memory_space<vmem_shared>> -> memref<128x128xf32, #tpu.memory_space<vmem_shared>>
      tpu.enqueue_dma source(%dma_start3A_42 : memref<128x128xf32, #tpu.memory_space<vmem_shared>>) target(%dma_start3A_40 : memref<128x128xf32, #tpu.memory_space<hbm>>) target_semaphore(%run_scoped3A : memref<!tpu.dma_semaphore, #tpu.memory_space<semaphore_mem>>)
      %dma_wait3A = arith.constant 0 : i32
      %dma_wait3A_43 = tpu.memref_slice %arg5[%arg0, %add3A_30, %dma_wait3A] : memref<2x10240x128xf32, #tpu.memory_space<hbm>> -> memref<1x128x128xf32, #tpu.memory_space<hbm>>
      %dma_wait3A_44 = tpu.memref_squeeze %dma_wait3A_43 : memref<1x128x128xf32, #tpu.memory_space<hbm>> -> memref<128x128xf32, #tpu.memory_space<hbm>>
      %dma_wait3A_45 = arith.constant 0 : i32
      %dma_wait3A_46 = tpu.memref_slice %arg10[%add3A_30, %dma_wait3A_45] : memref<10240x128xf32, #tpu.memory_space<vmem_shared>> -> memref<128x128xf32, #tpu.memory_space<vmem_shared>>
      tpu.wait_dma2 semaphore(%run_scoped3A : memref<!tpu.dma_semaphore, #tpu.memory_space<semaphore_mem>>) src(%dma_wait3A_46 : memref<128x128xf32, #tpu.memory_space<vmem_shared>>) dst(%dma_wait3A_44 : memref<128x128xf32, #tpu.memory_space<hbm>>)
      tpu.yield
    }) : () -> ()
    %mul3A_31 = arith.constant 640 : i32
    %mul3A_32 = arith.muli %arg1, %mul3A_31 : i32
    %add3A_33 = arith.constant 384 : i32
    %add3A_34 = arith.addi %mul3A_32, %add3A_33 : i32
    "tpu.region"() ({
      %run_scoped3A = tpu.sem_alloc : memref<!tpu.dma_semaphore, #tpu.memory_space<semaphore_mem>>
      %dma_start3A = arith.constant 0 : i32
      %dma_start3A_39 = tpu.memref_slice %arg5[%arg0, %add3A_34, %dma_start3A] : memref<2x10240x128xf32, #tpu.memory_space<hbm>> -> memref<1x128x128xf32, #tpu.memory_space<hbm>>
      %dma_start3A_40 = tpu.memref_squeeze %dma_start3A_39 : memref<1x128x128xf32, #tpu.memory_space<hbm>> -> memref<128x128xf32, #tpu.memory_space<hbm>>
      %dma_start3A_41 = arith.constant 0 : i32
      %dma_start3A_42 = tpu.memref_slice %arg10[%add3A_34, %dma_start3A_41] : memref<10240x128xf32, #tpu.memory_space<vmem_shared>> -> memref<128x128xf32, #tpu.memory_space<vmem_shared>>
      tpu.enqueue_dma source(%dma_start3A_42 : memref<128x128xf32, #tpu.memory_space<vmem_shared>>) target(%dma_start3A_40 : memref<128x128xf32, #tpu.memory_space<hbm>>) target_semaphore(%run_scoped3A : memref<!tpu.dma_semaphore, #tpu.memory_space<semaphore_mem>>)
      %dma_wait3A = arith.constant 0 : i32
      %dma_wait3A_43 = tpu.memref_slice %arg5[%arg0, %add3A_34, %dma_wait3A] : memref<2x10240x128xf32, #tpu.memory_space<hbm>> -> memref<1x128x128xf32, #tpu.memory_space<hbm>>
      %dma_wait3A_44 = tpu.memref_squeeze %dma_wait3A_43 : memref<1x128x128xf32, #tpu.memory_space<hbm>> -> memref<128x128xf32, #tpu.memory_space<hbm>>
      %dma_wait3A_45 = arith.constant 0 : i32
      %dma_wait3A_46 = tpu.memref_slice %arg10[%add3A_34, %dma_wait3A_45] : memref<10240x128xf32, #tpu.memory_space<vmem_shared>> -> memref<128x128xf32, #tpu.memory_space<vmem_shared>>
      tpu.wait_dma2 semaphore(%run_scoped3A : memref<!tpu.dma_semaphore, #tpu.memory_space<semaphore_mem>>) src(%dma_wait3A_46 : memref<128x128xf32, #tpu.memory_space<vmem_shared>>) dst(%dma_wait3A_44 : memref<128x128xf32, #tpu.memory_space<hbm>>)
      tpu.yield
    }) : () -> ()
    %mul3A_35 = arith.constant 640 : i32
    %mul3A_36 = arith.muli %arg1, %mul3A_35 : i32
    %add3A_37 = arith.constant 512 : i32
    %add3A_38 = arith.addi %mul3A_36, %add3A_37 : i32
    "tpu.region"() ({
      %run_scoped3A = tpu.sem_alloc : memref<!tpu.dma_semaphore, #tpu.memory_space<semaphore_mem>>
      %dma_start3A = arith.constant 0 : i32
      %dma_start3A_39 = tpu.memref_slice %arg5[%arg0, %add3A_38, %dma_start3A] : memref<2x10240x128xf32, #tpu.memory_space<hbm>> -> memref<1x128x128xf32, #tpu.memory_space<hbm>>
      %dma_start3A_40 = tpu.memref_squeeze %dma_start3A_39 : memref<1x128x128xf32, #tpu.memory_space<hbm>> -> memref<128x128xf32, #tpu.memory_space<hbm>>
      %dma_start3A_41 = arith.constant 0 : i32
      %dma_start3A_42 = tpu.memref_slice %arg10[%add3A_38, %dma_start3A_41] : memref<10240x128xf32, #tpu.memory_space<vmem_shared>> -> memref<128x128xf32, #tpu.memory_space<vmem_shared>>
      tpu.enqueue_dma source(%dma_start3A_42 : memref<128x128xf32, #tpu.memory_space<vmem_shared>>) target(%dma_start3A_40 : memref<128x128xf32, #tpu.memory_space<hbm>>) target_semaphore(%run_scoped3A : memref<!tpu.dma_semaphore, #tpu.memory_space<semaphore_mem>>)
      %dma_wait3A = arith.constant 0 : i32
      %dma_wait3A_43 = tpu.memref_slice %arg5[%arg0, %add3A_38, %dma_wait3A] : memref<2x10240x128xf32, #tpu.memory_space<hbm>> -> memref<1x128x128xf32, #tpu.memory_space<hbm>>
      %dma_wait3A_44 = tpu.memref_squeeze %dma_wait3A_43 : memref<1x128x128xf32, #tpu.memory_space<hbm>> -> memref<128x128xf32, #tpu.memory_space<hbm>>
      %dma_wait3A_45 = arith.constant 0 : i32
      %dma_wait3A_46 = tpu.memref_slice %arg10[%add3A_38, %dma_wait3A_45] : memref<10240x128xf32, #tpu.memory_space<vmem_shared>> -> memref<128x128xf32, #tpu.memory_space<vmem_shared>>
      tpu.wait_dma2 semaphore(%run_scoped3A : memref<!tpu.dma_semaphore, #tpu.memory_space<semaphore_mem>>) src(%dma_wait3A_46 : memref<128x128xf32, #tpu.memory_space<vmem_shared>>) dst(%dma_wait3A_44 : memref<128x128xf32, #tpu.memory_space<hbm>>)
      tpu.yield
    }) : () -> ()
    return
  }
}

#map = affine_map<(d0, d1) -> (0, 0)>
#map1 = affine_map<(d0, d1) -> (0, 0, 0)>
module attributes {stable_mosaic.version = 14 : i64} {
  func.func @sc_agg(%arg0: i32, %arg1: i32, %arg2: memref<10000x128xf32, #tpu.memory_space<hbm>>, %arg3: memref<2560x125xi32, #tpu.memory_space<hbm>>, %arg4: memref<2560x125xi32, #tpu.memory_space<hbm>>, %arg5: memref<2x10240x128xf32, #tpu.memory_space<hbm>>, %arg6: memref<20x125xi32, #tpu.memory_space<vmem>>, %arg7: memref<20x125xi32, #tpu.memory_space<vmem>>, %arg8: memref<125x128xf32, #tpu.memory_space<vmem>>, %arg9: memref<16x128xf32, #tpu.memory_space<vmem>>, %arg10: memref<10240x128xf32, #tpu.memory_space<vmem_shared>>, %arg11: memref<!tpu.dma_semaphore, #tpu.memory_space<semaphore_mem>>) attributes {dimension_semantics = [#tpu.dimension_semantics<core_parallel>, #tpu.dimension_semantics<subcore_parallel>], iteration_bounds = array<i64: 2, 16>, scalar_prefetch = 0 : i64, scratch_operands = 6 : i64, tpu.core_type = #tpu.core_type<sc_vector_subcore>, window_params = [{transform_indices = #map}, {transform_indices = #map}, {transform_indices = #map}, {transform_indices = #map1}]} {
    %mul3A = arith.constant 2 : i32
    %mul3A_0 = arith.muli %arg1, %mul3A : i32
    %add3A = arith.addi %mul3A_0, %arg0 : i32
    %scan3A = arith.constant 0 : i32
    %scan3A_1 = arith.constant 0 : i32
    %scan3A_2 = arith.constant 16 : i32
    %scan3A_3 = arith.addi %scan3A_1, %scan3A_2 : i32
    %scan3A_4 = arith.constant 1 : i32
    scf.for %scan3A_39 = %scan3A_1 to %scan3A_3 step %scan3A_4  : i32 {
      %broadcast_in_dim3A = arith.constant 0.000000e+00 : f32
      %broadcast_in_dim3A_40 = vector.broadcast %broadcast_in_dim3A : f32 to vector<16xf32>
      %swap3A = arith.index_cast %scan3A_39 : i32 to index
      %swap3A_41 = arith.constant 0 : index
      %swap3A_42 = tpu.vector_load %arg9[%swap3A, %swap3A_41] {strides = array<i32>} : memref<16x128xf32, #tpu.memory_space<vmem>>, vector<1x16xf32>,
      %swap3A_43 = vector.shape_cast %swap3A_42 : vector<1x16xf32> to vector<16xf32>
      %swap3A_44 = vector.shape_cast %broadcast_in_dim3A_40 : vector<16xf32> to vector<1x16xf32>
      tpu.vector_store %arg9[%swap3A, %swap3A_41], %swap3A_44 {strides = array<i32>} : memref<16x128xf32, #tpu.memory_space<vmem>>, vector<1x16xf32>,
      %broadcast_in_dim3A_45 = arith.constant 0.000000e+00 : f32
      %broadcast_in_dim3A_46 = vector.broadcast %broadcast_in_dim3A_45 : f32 to vector<16xf32>
      %swap3A_47 = arith.index_cast %scan3A_39 : i32 to index
      %swap3A_48 = arith.constant 16 : index
      %swap3A_49 = tpu.vector_load %arg9[%swap3A_47, %swap3A_48] {strides = array<i32>} : memref<16x128xf32, #tpu.memory_space<vmem>>, vector<1x16xf32>,
      %swap3A_50 = vector.shape_cast %swap3A_49 : vector<1x16xf32> to vector<16xf32>
      %swap3A_51 = vector.shape_cast %broadcast_in_dim3A_46 : vector<16xf32> to vector<1x16xf32>
      tpu.vector_store %arg9[%swap3A_47, %swap3A_48], %swap3A_51 {strides = array<i32>} : memref<16x128xf32, #tpu.memory_space<vmem>>, vector<1x16xf32>,
      %broadcast_in_dim3A_52 = arith.constant 0.000000e+00 : f32
      %broadcast_in_dim3A_53 = vector.broadcast %broadcast_in_dim3A_52 : f32 to vector<16xf32>
      %swap3A_54 = arith.index_cast %scan3A_39 : i32 to index
      %swap3A_55 = arith.constant 32 : index
      %swap3A_56 = tpu.vector_load %arg9[%swap3A_54, %swap3A_55] {strides = array<i32>} : memref<16x128xf32, #tpu.memory_space<vmem>>, vector<1x16xf32>,
      %swap3A_57 = vector.shape_cast %swap3A_56 : vector<1x16xf32> to vector<16xf32>
      %swap3A_58 = vector.shape_cast %broadcast_in_dim3A_53 : vector<16xf32> to vector<1x16xf32>
      tpu.vector_store %arg9[%swap3A_54, %swap3A_55], %swap3A_58 {strides = array<i32>} : memref<16x128xf32, #tpu.memory_space<vmem>>, vector<1x16xf32>,
      %broadcast_in_dim3A_59 = arith.constant 0.000000e+00 : f32
      %broadcast_in_dim3A_60 = vector.broadcast %broadcast_in_dim3A_59 : f32 to vector<16xf32>
      %swap3A_61 = arith.index_cast %scan3A_39 : i32 to index
      %swap3A_62 = arith.constant 48 : index
      %swap3A_63 = tpu.vector_load %arg9[%swap3A_61, %swap3A_62] {strides = array<i32>} : memref<16x128xf32, #tpu.memory_space<vmem>>, vector<1x16xf32>,
      %swap3A_64 = vector.shape_cast %swap3A_63 : vector<1x16xf32> to vector<16xf32>
      %swap3A_65 = vector.shape_cast %broadcast_in_dim3A_60 : vector<16xf32> to vector<1x16xf32>
      tpu.vector_store %arg9[%swap3A_61, %swap3A_62], %swap3A_65 {strides = array<i32>} : memref<16x128xf32, #tpu.memory_space<vmem>>, vector<1x16xf32>,
      %broadcast_in_dim3A_66 = arith.constant 0.000000e+00 : f32
      %broadcast_in_dim3A_67 = vector.broadcast %broadcast_in_dim3A_66 : f32 to vector<16xf32>
      %swap3A_68 = arith.index_cast %scan3A_39 : i32 to index
      %swap3A_69 = arith.constant 64 : index
      %swap3A_70 = tpu.vector_load %arg9[%swap3A_68, %swap3A_69] {strides = array<i32>} : memref<16x128xf32, #tpu.memory_space<vmem>>, vector<1x16xf32>,
      %swap3A_71 = vector.shape_cast %swap3A_70 : vector<1x16xf32> to vector<16xf32>
      %swap3A_72 = vector.shape_cast %broadcast_in_dim3A_67 : vector<16xf32> to vector<1x16xf32>
      tpu.vector_store %arg9[%swap3A_68, %swap3A_69], %swap3A_72 {strides = array<i32>} : memref<16x128xf32, #tpu.memory_space<vmem>>, vector<1x16xf32>,
      %broadcast_in_dim3A_73 = arith.constant 0.000000e+00 : f32
      %broadcast_in_dim3A_74 = vector.broadcast %broadcast_in_dim3A_73 : f32 to vector<16xf32>
      %swap3A_75 = arith.index_cast %scan3A_39 : i32 to index
      %swap3A_76 = arith.constant 80 : index
      %swap3A_77 = tpu.vector_load %arg9[%swap3A_75, %swap3A_76] {strides = array<i32>} : memref<16x128xf32, #tpu.memory_space<vmem>>, vector<1x16xf32>,
      %swap3A_78 = vector.shape_cast %swap3A_77 : vector<1x16xf32> to vector<16xf32>
      %swap3A_79 = vector.shape_cast %broadcast_in_dim3A_74 : vector<16xf32> to vector<1x16xf32>
      tpu.vector_store %arg9[%swap3A_75, %swap3A_76], %swap3A_79 {strides = array<i32>} : memref<16x128xf32, #tpu.memory_space<vmem>>, vector<1x16xf32>,
      %broadcast_in_dim3A_80 = arith.constant 0.000000e+00 : f32
      %broadcast_in_dim3A_81 = vector.broadcast %broadcast_in_dim3A_80 : f32 to vector<16xf32>
      %swap3A_82 = arith.index_cast %scan3A_39 : i32 to index
      %swap3A_83 = arith.constant 96 : index
      %swap3A_84 = tpu.vector_load %arg9[%swap3A_82, %swap3A_83] {strides = array<i32>} : memref<16x128xf32, #tpu.memory_space<vmem>>, vector<1x16xf32>,
      %swap3A_85 = vector.shape_cast %swap3A_84 : vector<1x16xf32> to vector<16xf32>
      %swap3A_86 = vector.shape_cast %broadcast_in_dim3A_81 : vector<16xf32> to vector<1x16xf32>
      tpu.vector_store %arg9[%swap3A_82, %swap3A_83], %swap3A_86 {strides = array<i32>} : memref<16x128xf32, #tpu.memory_space<vmem>>, vector<1x16xf32>,
      %broadcast_in_dim3A_87 = arith.constant 0.000000e+00 : f32
      %broadcast_in_dim3A_88 = vector.broadcast %broadcast_in_dim3A_87 : f32 to vector<16xf32>
      %swap3A_89 = arith.index_cast %scan3A_39 : i32 to index
      %swap3A_90 = arith.constant 112 : index
      %swap3A_91 = tpu.vector_load %arg9[%swap3A_89, %swap3A_90] {strides = array<i32>} : memref<16x128xf32, #tpu.memory_space<vmem>>, vector<1x16xf32>,
      %swap3A_92 = vector.shape_cast %swap3A_91 : vector<1x16xf32> to vector<16xf32>
      %swap3A_93 = vector.shape_cast %broadcast_in_dim3A_88 : vector<16xf32> to vector<1x16xf32>
      tpu.vector_store %arg9[%swap3A_89, %swap3A_90], %swap3A_93 {strides = array<i32>} : memref<16x128xf32, #tpu.memory_space<vmem>>, vector<1x16xf32>,
    }
    %scan3A_5 = arith.constant 16 : i32
    %scan3A_6 = arith.constant 0 : i32
    %scan3A_7 = arith.constant 0 : i32
    %scan3A_8 = arith.constant 40 : i32
    %scan3A_9 = arith.addi %scan3A_7, %scan3A_8 : i32
    %scan3A_10 = arith.constant 1 : i32
    scf.for %scan3A_39 = %scan3A_7 to %scan3A_9 step %scan3A_10  : i32 {
      %mul3A_40 = arith.constant 640 : i32
      %mul3A_41 = arith.muli %arg1, %mul3A_40 : i32
      %mul3A_42 = arith.constant 16 : i32
      %mul3A_43 = arith.muli %scan3A_39, %mul3A_42 : i32
      %add3A_44 = arith.addi %mul3A_41, %mul3A_43 : i32
      "tpu.region"() ({
        %run_scoped3A = tpu.sem_alloc : memref<!tpu.dma_semaphore, #tpu.memory_space<semaphore_mem>>
        %dma_start3A = arith.constant 0 : i32
        %dma_start3A_45 = tpu.memref_slice %arg10[%add3A_44, %dma_start3A] : memref<10240x128xf32, #tpu.memory_space<vmem_shared>> -> memref<16x128xf32, #tpu.memory_space<vmem_shared>>
        %dma_start3A_46 = arith.constant 0 : i32
        %dma_start3A_47 = tpu.memref_slice %arg10[%add3A_44, %dma_start3A_46] : memref<10240x128xf32, #tpu.memory_space<vmem_shared>> -> memref<16x128xf32, #tpu.memory_space<vmem_shared>>
        tpu.enqueue_dma source(%arg9 : memref<16x128xf32, #tpu.memory_space<vmem>>) target(%dma_start3A_47 : memref<16x128xf32, #tpu.memory_space<vmem_shared>>) target_semaphore(%run_scoped3A : memref<!tpu.dma_semaphore, #tpu.memory_space<semaphore_mem>>)
        %dma_wait3A = arith.constant 0 : i32
        %dma_wait3A_48 = tpu.memref_slice %arg10[%add3A_44, %dma_wait3A] : memref<10240x128xf32, #tpu.memory_space<vmem_shared>> -> memref<16x128xf32, #tpu.memory_space<vmem_shared>>
        %dma_wait3A_49 = arith.constant 0 : i32
        %dma_wait3A_50 = tpu.memref_slice %arg10[%add3A_44, %dma_wait3A_49] : memref<10240x128xf32, #tpu.memory_space<vmem_shared>> -> memref<16x128xf32, #tpu.memory_space<vmem_shared>>
        tpu.wait_dma2 semaphore(%run_scoped3A : memref<!tpu.dma_semaphore, #tpu.memory_space<semaphore_mem>>) src(%arg9 : memref<16x128xf32, #tpu.memory_space<vmem>>) dst(%dma_wait3A_50 : memref<16x128xf32, #tpu.memory_space<vmem_shared>>)
        tpu.yield
      }) : () -> ()
    }
    %scan3A_11 = arith.constant 40 : i32
    %barrier3A = arith.constant 0 : index
    tpu.barrier barrier_id(%barrier3A)
    %scan3A_12 = arith.constant 0 : i32
    %scan3A_13 = arith.constant 0 : i32
    %scan3A_14 = arith.constant 4 : i32
    %scan3A_15 = arith.addi %scan3A_13, %scan3A_14 : i32
    %scan3A_16 = arith.constant 1 : i32
    scf.for %scan3A_39 = %scan3A_13 to %scan3A_15 step %scan3A_16  : i32 {
      %mul3A_40 = arith.constant 80 : i32
      %mul3A_41 = arith.muli %add3A, %mul3A_40 : i32
      %mul3A_42 = arith.constant 20 : i32
      %mul3A_43 = arith.muli %scan3A_39, %mul3A_42 : i32
      %add3A_44 = arith.addi %mul3A_41, %mul3A_43 : i32
      "tpu.region"() ({
        %run_scoped3A = tpu.sem_alloc : memref<!tpu.dma_semaphore, #tpu.memory_space<semaphore_mem>>
        %dma_start3A = arith.constant 0 : i32
        %dma_start3A_51 = tpu.memref_slice %arg3[%add3A_44, %dma_start3A] : memref<2560x125xi32, #tpu.memory_space<hbm>> -> memref<20x125xi32, #tpu.memory_space<hbm>>
        %dma_start3A_52 = arith.constant 0 : i32
        %dma_start3A_53 = tpu.memref_slice %arg3[%add3A_44, %dma_start3A_52] : memref<2560x125xi32, #tpu.memory_space<hbm>> -> memref<20x125xi32, #tpu.memory_space<hbm>>
        tpu.enqueue_dma source(%dma_start3A_53 : memref<20x125xi32, #tpu.memory_space<hbm>>) target(%arg6 : memref<20x125xi32, #tpu.memory_space<vmem>>) target_semaphore(%run_scoped3A : memref<!tpu.dma_semaphore, #tpu.memory_space<semaphore_mem>>)
        %dma_wait3A = arith.constant 0 : i32
        %dma_wait3A_54 = tpu.memref_slice %arg3[%add3A_44, %dma_wait3A] : memref<2560x125xi32, #tpu.memory_space<hbm>> -> memref<20x125xi32, #tpu.memory_space<hbm>>
        %dma_wait3A_55 = arith.constant 0 : i32
        %dma_wait3A_56 = tpu.memref_slice %arg3[%add3A_44, %dma_wait3A_55] : memref<2560x125xi32, #tpu.memory_space<hbm>> -> memref<20x125xi32, #tpu.memory_space<hbm>>
        tpu.wait_dma2 semaphore(%run_scoped3A : memref<!tpu.dma_semaphore, #tpu.memory_space<semaphore_mem>>) src(%dma_wait3A_56 : memref<20x125xi32, #tpu.memory_space<hbm>>) dst(%arg6 : memref<20x125xi32, #tpu.memory_space<vmem>>)
        tpu.yield
      }) : () -> ()
      "tpu.region"() ({
        %run_scoped3A = tpu.sem_alloc : memref<!tpu.dma_semaphore, #tpu.memory_space<semaphore_mem>>
        %dma_start3A = arith.constant 0 : i32
        %dma_start3A_51 = tpu.memref_slice %arg4[%add3A_44, %dma_start3A] : memref<2560x125xi32, #tpu.memory_space<hbm>> -> memref<20x125xi32, #tpu.memory_space<hbm>>
        %dma_start3A_52 = arith.constant 0 : i32
        %dma_start3A_53 = tpu.memref_slice %arg4[%add3A_44, %dma_start3A_52] : memref<2560x125xi32, #tpu.memory_space<hbm>> -> memref<20x125xi32, #tpu.memory_space<hbm>>
        tpu.enqueue_dma source(%dma_start3A_53 : memref<20x125xi32, #tpu.memory_space<hbm>>) target(%arg7 : memref<20x125xi32, #tpu.memory_space<vmem>>) target_semaphore(%run_scoped3A : memref<!tpu.dma_semaphore, #tpu.memory_space<semaphore_mem>>)
        %dma_wait3A = arith.constant 0 : i32
        %dma_wait3A_54 = tpu.memref_slice %arg4[%add3A_44, %dma_wait3A] : memref<2560x125xi32, #tpu.memory_space<hbm>> -> memref<20x125xi32, #tpu.memory_space<hbm>>
        %dma_wait3A_55 = arith.constant 0 : i32
        %dma_wait3A_56 = tpu.memref_slice %arg4[%add3A_44, %dma_wait3A_55] : memref<2560x125xi32, #tpu.memory_space<hbm>> -> memref<20x125xi32, #tpu.memory_space<hbm>>
        tpu.wait_dma2 semaphore(%run_scoped3A : memref<!tpu.dma_semaphore, #tpu.memory_space<semaphore_mem>>) src(%dma_wait3A_56 : memref<20x125xi32, #tpu.memory_space<hbm>>) dst(%arg7 : memref<20x125xi32, #tpu.memory_space<vmem>>)
        tpu.yield
      }) : () -> ()
      %scan3A_45 = arith.constant 0 : i32
      %scan3A_46 = arith.constant 0 : i32
      %scan3A_47 = arith.constant 20 : i32
      %scan3A_48 = arith.addi %scan3A_46, %scan3A_47 : i32
      %scan3A_49 = arith.constant 1 : i32
      scf.for %scan3A_51 = %scan3A_46 to %scan3A_48 step %scan3A_49  : i32 {
        %dma_start3A = arith.constant 0 : i32
        %dma_start3A_52 = tpu.memref_slice %arg6[%scan3A_51, %dma_start3A] : memref<20x125xi32, #tpu.memory_space<vmem>> -> memref<1x125xi32, #tpu.memory_space<vmem>>
        %dma_start3A_53 = tpu.memref_squeeze %dma_start3A_52 : memref<1x125xi32, #tpu.memory_space<vmem>> -> memref<125xi32, #tpu.memory_space<vmem>>
        %dma_start3A_54 = arith.constant 0 : i32
        %dma_start3A_55 = arith.constant 0 : i32
        %dma_start3A_56 = tpu.memref_slice %arg2[%dma_start3A_54, %dma_start3A_55] : memref<10000x128xf32, #tpu.memory_space<hbm>> -> memref<10000x128xf32, #tpu.memory_space<hbm>>
        tpu.enqueue_indirect_dma source(%dma_start3A_56 : memref<10000x128xf32, #tpu.memory_space<hbm>>) target(%arg8 : memref<125x128xf32, #tpu.memory_space<vmem>>) offsets(%dma_start3A_53 : memref<125xi32, #tpu.memory_space<vmem>>) semaphore(%arg11 : memref<!tpu.dma_semaphore, #tpu.memory_space<semaphore_mem>>)
        %dma_wait3A = arith.constant 0 : i32
        %dma_wait3A_57 = tpu.memref_slice %arg6[%scan3A_51, %dma_wait3A] : memref<20x125xi32, #tpu.memory_space<vmem>> -> memref<1x125xi32, #tpu.memory_space<vmem>>
        %dma_wait3A_58 = tpu.memref_squeeze %dma_wait3A_57 : memref<1x125xi32, #tpu.memory_space<vmem>> -> memref<125xi32, #tpu.memory_space<vmem>>
        %dma_wait3A_59 = arith.constant 0 : i32
        %dma_wait3A_60 = arith.constant 0 : i32
        %dma_wait3A_61 = tpu.memref_slice %arg2[%dma_wait3A_59, %dma_wait3A_60] : memref<10000x128xf32, #tpu.memory_space<hbm>> -> memref<10000x128xf32, #tpu.memory_space<hbm>>
        tpu.wait_indirect_dma semaphore(%arg11 : memref<!tpu.dma_semaphore, #tpu.memory_space<semaphore_mem>>) src(%dma_wait3A_61 : memref<10000x128xf32, #tpu.memory_space<hbm>>) dst(%arg8 : memref<125x128xf32, #tpu.memory_space<vmem>>)
        "tpu.region"() ({
          %run_scoped3A = tpu.sem_alloc : memref<!tpu.dma_semaphore, #tpu.memory_space<semaphore_mem>>
          %dma_start3A_62 = arith.constant 0 : i32
          %dma_start3A_63 = tpu.memref_slice %arg7[%scan3A_51, %dma_start3A_62] : memref<20x125xi32, #tpu.memory_space<vmem>> -> memref<1x125xi32, #tpu.memory_space<vmem>>
          %dma_start3A_64 = tpu.memref_squeeze %dma_start3A_63 : memref<1x125xi32, #tpu.memory_space<vmem>> -> memref<125xi32, #tpu.memory_space<vmem>>
          %dma_start3A_65 = arith.constant 0 : i32
          %dma_start3A_66 = arith.constant 0 : i32
          %dma_start3A_67 = tpu.memref_slice %arg10[%dma_start3A_65, %dma_start3A_66] : memref<10240x128xf32, #tpu.memory_space<vmem_shared>> -> memref<10240x128xf32, #tpu.memory_space<vmem_shared>>
          tpu.enqueue_indirect_dma source(%arg8 : memref<125x128xf32, #tpu.memory_space<vmem>>) target(%dma_start3A_67 : memref<10240x128xf32, #tpu.memory_space<vmem_shared>>) offsets(%dma_start3A_64 : memref<125xi32, #tpu.memory_space<vmem>>) semaphore(%run_scoped3A : memref<!tpu.dma_semaphore, #tpu.memory_space<semaphore_mem>>) {add = true}
          %dma_wait3A_68 = arith.constant 0 : i32
          %dma_wait3A_69 = tpu.memref_slice %arg7[%scan3A_51, %dma_wait3A_68] : memref<20x125xi32, #tpu.memory_space<vmem>> -> memref<1x125xi32, #tpu.memory_space<vmem>>
          %dma_wait3A_70 = tpu.memref_squeeze %dma_wait3A_69 : memref<1x125xi32, #tpu.memory_space<vmem>> -> memref<125xi32, #tpu.memory_space<vmem>>
          %dma_wait3A_71 = arith.constant 0 : i32
          %dma_wait3A_72 = arith.constant 0 : i32
          %dma_wait3A_73 = tpu.memref_slice %arg10[%dma_wait3A_71, %dma_wait3A_72] : memref<10240x128xf32, #tpu.memory_space<vmem_shared>> -> memref<10240x128xf32, #tpu.memory_space<vmem_shared>>
          tpu.wait_indirect_dma semaphore(%run_scoped3A : memref<!tpu.dma_semaphore, #tpu.memory_space<semaphore_mem>>) src(%arg8 : memref<125x128xf32, #tpu.memory_space<vmem>>) dst(%dma_wait3A_73 : memref<10240x128xf32, #tpu.memory_space<vmem_shared>>)
          tpu.yield
        }) : () -> ()
      }
      %scan3A_50 = arith.constant 20 : i32
    }
    %scan3A_17 = arith.constant 4 : i32
    %barrier3A_18 = arith.constant 0 : index
    tpu.barrier barrier_id(%barrier3A_18)
    %mul3A_19 = arith.constant 640 : i32
    %mul3A_20 = arith.muli %arg1, %mul3A_19 : i32
    %add3A_21 = arith.constant 0 : i32
    %add3A_22 = arith.addi %mul3A_20, %add3A_21 : i32
    "tpu.region"() ({
      %run_scoped3A = tpu.sem_alloc : memref<!tpu.dma_semaphore, #tpu.memory_space<semaphore_mem>>
      %dma_start3A = arith.constant 0 : i32
      %dma_start3A_39 = tpu.memref_slice %arg5[%arg0, %add3A_22, %dma_start3A] : memref<2x10240x128xf32, #tpu.memory_space<hbm>> -> memref<1x128x128xf32, #tpu.memory_space<hbm>>
      %dma_start3A_40 = tpu.memref_squeeze %dma_start3A_39 : memref<1x128x128xf32, #tpu.memory_space<hbm>> -> memref<128x128xf32, #tpu.memory_space<hbm>>
      %dma_start3A_41 = arith.constant 0 : i32
      %dma_start3A_42 = tpu.memref_slice %arg10[%add3A_22, %dma_start3A_41] : memref<10240x128xf32, #tpu.memory_space<vmem_shared>> -> memref<128x128xf32, #tpu.memory_space<vmem_shared>>
      tpu.enqueue_dma source(%dma_start3A_42 : memref<128x128xf32, #tpu.memory_space<vmem_shared>>) target(%dma_start3A_40 : memref<128x128xf32, #tpu.memory_space<hbm>>) target_semaphore(%run_scoped3A : memref<!tpu.dma_semaphore, #tpu.memory_space<semaphore_mem>>)
      %dma_wait3A = arith.constant 0 : i32
      %dma_wait3A_43 = tpu.memref_slice %arg5[%arg0, %add3A_22, %dma_wait3A] : memref<2x10240x128xf32, #tpu.memory_space<hbm>> -> memref<1x128x128xf32, #tpu.memory_space<hbm>>
      %dma_wait3A_44 = tpu.memref_squeeze %dma_wait3A_43 : memref<1x128x128xf32, #tpu.memory_space<hbm>> -> memref<128x128xf32, #tpu.memory_space<hbm>>
      %dma_wait3A_45 = arith.constant 0 : i32
      %dma_wait3A_46 = tpu.memref_slice %arg10[%add3A_22, %dma_wait3A_45] : memref<10240x128xf32, #tpu.memory_space<vmem_shared>> -> memref<128x128xf32, #tpu.memory_space<vmem_shared>>
      tpu.wait_dma2 semaphore(%run_scoped3A : memref<!tpu.dma_semaphore, #tpu.memory_space<semaphore_mem>>) src(%dma_wait3A_46 : memref<128x128xf32, #tpu.memory_space<vmem_shared>>) dst(%dma_wait3A_44 : memref<128x128xf32, #tpu.memory_space<hbm>>)
      tpu.yield
    }) : () -> ()
    %mul3A_23 = arith.constant 640 : i32
    %mul3A_24 = arith.muli %arg1, %mul3A_23 : i32
    %add3A_25 = arith.constant 128 : i32
    %add3A_26 = arith.addi %mul3A_24, %add3A_25 : i32
    "tpu.region"() ({
      %run_scoped3A = tpu.sem_alloc : memref<!tpu.dma_semaphore, #tpu.memory_space<semaphore_mem>>
      %dma_start3A = arith.constant 0 : i32
      %dma_start3A_39 = tpu.memref_slice %arg5[%arg0, %add3A_26, %dma_start3A] : memref<2x10240x128xf32, #tpu.memory_space<hbm>> -> memref<1x128x128xf32, #tpu.memory_space<hbm>>
      %dma_start3A_40 = tpu.memref_squeeze %dma_start3A_39 : memref<1x128x128xf32, #tpu.memory_space<hbm>> -> memref<128x128xf32, #tpu.memory_space<hbm>>
      %dma_start3A_41 = arith.constant 0 : i32
      %dma_start3A_42 = tpu.memref_slice %arg10[%add3A_26, %dma_start3A_41] : memref<10240x128xf32, #tpu.memory_space<vmem_shared>> -> memref<128x128xf32, #tpu.memory_space<vmem_shared>>
      tpu.enqueue_dma source(%dma_start3A_42 : memref<128x128xf32, #tpu.memory_space<vmem_shared>>) target(%dma_start3A_40 : memref<128x128xf32, #tpu.memory_space<hbm>>) target_semaphore(%run_scoped3A : memref<!tpu.dma_semaphore, #tpu.memory_space<semaphore_mem>>)
      %dma_wait3A = arith.constant 0 : i32
      %dma_wait3A_43 = tpu.memref_slice %arg5[%arg0, %add3A_26, %dma_wait3A] : memref<2x10240x128xf32, #tpu.memory_space<hbm>> -> memref<1x128x128xf32, #tpu.memory_space<hbm>>
      %dma_wait3A_44 = tpu.memref_squeeze %dma_wait3A_43 : memref<1x128x128xf32, #tpu.memory_space<hbm>> -> memref<128x128xf32, #tpu.memory_space<hbm>>
      %dma_wait3A_45 = arith.constant 0 : i32
      %dma_wait3A_46 = tpu.memref_slice %arg10[%add3A_26, %dma_wait3A_45] : memref<10240x128xf32, #tpu.memory_space<vmem_shared>> -> memref<128x128xf32, #tpu.memory_space<vmem_shared>>
      tpu.wait_dma2 semaphore(%run_scoped3A : memref<!tpu.dma_semaphore, #tpu.memory_space<semaphore_mem>>) src(%dma_wait3A_46 : memref<128x128xf32, #tpu.memory_space<vmem_shared>>) dst(%dma_wait3A_44 : memref<128x128xf32, #tpu.memory_space<hbm>>)
      tpu.yield
    }) : () -> ()
    %mul3A_27 = arith.constant 640 : i32
    %mul3A_28 = arith.muli %arg1, %mul3A_27 : i32
    %add3A_29 = arith.constant 256 : i32
    %add3A_30 = arith.addi %mul3A_28, %add3A_29 : i32
    "tpu.region"() ({
      %run_scoped3A = tpu.sem_alloc : memref<!tpu.dma_semaphore, #tpu.memory_space<semaphore_mem>>
      %dma_start3A = arith.constant 0 : i32
      %dma_start3A_39 = tpu.memref_slice %arg5[%arg0, %add3A_30, %dma_start3A] : memref<2x10240x128xf32, #tpu.memory_space<hbm>> -> memref<1x128x128xf32, #tpu.memory_space<hbm>>
      %dma_start3A_40 = tpu.memref_squeeze %dma_start3A_39 : memref<1x128x128xf32, #tpu.memory_space<hbm>> -> memref<128x128xf32, #tpu.memory_space<hbm>>
      %dma_start3A_41 = arith.constant 0 : i32
      %dma_start3A_42 = tpu.memref_slice %arg10[%add3A_30, %dma_start3A_41] : memref<10240x128xf32, #tpu.memory_space<vmem_shared>> -> memref<128x128xf32, #tpu.memory_space<vmem_shared>>
      tpu.enqueue_dma source(%dma_start3A_42 : memref<128x128xf32, #tpu.memory_space<vmem_shared>>) target(%dma_start3A_40 : memref<128x128xf32, #tpu.memory_space<hbm>>) target_semaphore(%run_scoped3A : memref<!tpu.dma_semaphore, #tpu.memory_space<semaphore_mem>>)
      %dma_wait3A = arith.constant 0 : i32
      %dma_wait3A_43 = tpu.memref_slice %arg5[%arg0, %add3A_30, %dma_wait3A] : memref<2x10240x128xf32, #tpu.memory_space<hbm>> -> memref<1x128x128xf32, #tpu.memory_space<hbm>>
      %dma_wait3A_44 = tpu.memref_squeeze %dma_wait3A_43 : memref<1x128x128xf32, #tpu.memory_space<hbm>> -> memref<128x128xf32, #tpu.memory_space<hbm>>
      %dma_wait3A_45 = arith.constant 0 : i32
      %dma_wait3A_46 = tpu.memref_slice %arg10[%add3A_30, %dma_wait3A_45] : memref<10240x128xf32, #tpu.memory_space<vmem_shared>> -> memref<128x128xf32, #tpu.memory_space<vmem_shared>>
      tpu.wait_dma2 semaphore(%run_scoped3A : memref<!tpu.dma_semaphore, #tpu.memory_space<semaphore_mem>>) src(%dma_wait3A_46 : memref<128x128xf32, #tpu.memory_space<vmem_shared>>) dst(%dma_wait3A_44 : memref<128x128xf32, #tpu.memory_space<hbm>>)
      tpu.yield
    }) : () -> ()
    %mul3A_31 = arith.constant 640 : i32
    %mul3A_32 = arith.muli %arg1, %mul3A_31 : i32
    %add3A_33 = arith.constant 384 : i32
    %add3A_34 = arith.addi %mul3A_32, %add3A_33 : i32
    "tpu.region"() ({
      %run_scoped3A = tpu.sem_alloc : memref<!tpu.dma_semaphore, #tpu.memory_space<semaphore_mem>>
      %dma_start3A = arith.constant 0 : i32
      %dma_start3A_39 = tpu.memref_slice %arg5[%arg0, %add3A_34, %dma_start3A] : memref<2x10240x128xf32, #tpu.memory_space<hbm>> -> memref<1x128x128xf32, #tpu.memory_space<hbm>>
      %dma_start3A_40 = tpu.memref_squeeze %dma_start3A_39 : memref<1x128x128xf32, #tpu.memory_space<hbm>> -> memref<128x128xf32, #tpu.memory_space<hbm>>
      %dma_start3A_41 = arith.constant 0 : i32
      %dma_start3A_42 = tpu.memref_slice %arg10[%add3A_34, %dma_start3A_41] : memref<10240x128xf32, #tpu.memory_space<vmem_shared>> -> memref<128x128xf32, #tpu.memory_space<vmem_shared>>
      tpu.enqueue_dma source(%dma_start3A_42 : memref<128x128xf32, #tpu.memory_space<vmem_shared>>) target(%dma_start3A_40 : memref<128x128xf32, #tpu.memory_space<hbm>>) target_semaphore(%run_scoped3A : memref<!tpu.dma_semaphore, #tpu.memory_space<semaphore_mem>>)
      %dma_wait3A = arith.constant 0 : i32
      %dma_wait3A_43 = tpu.memref_slice %arg5[%arg0, %add3A_34, %dma_wait3A] : memref<2x10240x128xf32, #tpu.memory_space<hbm>> -> memref<1x128x128xf32, #tpu.memory_space<hbm>>
      %dma_wait3A_44 = tpu.memref_squeeze %dma_wait3A_43 : memref<1x128x128xf32, #tpu.memory_space<hbm>> -> memref<128x128xf32, #tpu.memory_space<hbm>>
      %dma_wait3A_45 = arith.constant 0 : i32
      %dma_wait3A_46 = tpu.memref_slice %arg10[%add3A_34, %dma_wait3A_45] : memref<10240x128xf32, #tpu.memory_space<vmem_shared>> -> memref<128x128xf32, #tpu.memory_space<vmem_shared>>
      tpu.wait_dma2 semaphore(%run_scoped3A : memref<!tpu.dma_semaphore, #tpu.memory_space<semaphore_mem>>) src(%dma_wait3A_46 : memref<128x128xf32, #tpu.memory_space<vmem_shared>>) dst(%dma_wait3A_44 : memref<128x128xf32, #tpu.memory_space<hbm>>)
      tpu.yield
    }) : () -> ()
    %mul3A_35 = arith.constant 640 : i32
    %mul3A_36 = arith.muli %arg1, %mul3A_35 : i32
    %add3A_37 = arith.constant 512 : i32
    %add3A_38 = arith.addi %mul3A_36, %add3A_37 : i32
    "tpu.region"() ({
      %run_scoped3A = tpu.sem_alloc : memref<!tpu.dma_semaphore, #tpu.memory_space<semaphore_mem>>
      %dma_start3A = arith.constant 0 : i32
      %dma_start3A_39 = tpu.memref_slice %arg5[%arg0, %add3A_38, %dma_start3A] : memref<2x10240x128xf32, #tpu.memory_space<hbm>> -> memref<1x128x128xf32, #tpu.memory_space<hbm>>
      %dma_start3A_40 = tpu.memref_squeeze %dma_start3A_39 : memref<1x128x128xf32, #tpu.memory_space<hbm>> -> memref<128x128xf32, #tpu.memory_space<hbm>>
      %dma_start3A_41 = arith.constant 0 : i32
      %dma_start3A_42 = tpu.memref_slice %arg10[%add3A_38, %dma_start3A_41] : memref<10240x128xf32, #tpu.memory_space<vmem_shared>> -> memref<128x128xf32, #tpu.memory_space<vmem_shared>>
      tpu.enqueue_dma source(%dma_start3A_42 : memref<128x128xf32, #tpu.memory_space<vmem_shared>>) target(%dma_start3A_40 : memref<128x128xf32, #tpu.memory_space<hbm>>) target_semaphore(%run_scoped3A : memref<!tpu.dma_semaphore, #tpu.memory_space<semaphore_mem>>)
      %dma_wait3A = arith.constant 0 : i32
      %dma_wait3A_43 = tpu.memref_slice %arg5[%arg0, %add3A_38, %dma_wait3A] : memref<2x10240x128xf32, #tpu.memory_space<hbm>> -> memref<1x128x128xf32, #tpu.memory_space<hbm>>
      %dma_wait3A_44 = tpu.memref_squeeze %dma_wait3A_43 : memref<1x128x128xf32, #tpu.memory_space<hbm>> -> memref<128x128xf32, #tpu.memory_space<hbm>>
      %dma_wait3A_45 = arith.constant 0 : i32
      %dma_wait3A_46 = tpu.memref_slice %arg10[%add3A_38, %dma_wait3A_45] : memref<10240x128xf32, #tpu.memory_space<vmem_shared>> -> memref<128x128xf32, #tpu.memory_space<vmem_shared>>
      tpu.wait_dma2 semaphore(%run_scoped3A : memref<!tpu.dma_semaphore, #tpu.memory_space<semaphore_mem>>) src(%dma_wait3A_46 : memref<128x128xf32, #tpu.memory_space<vmem_shared>>) dst(%dma_wait3A_44 : memref<128x128xf32, #tpu.memory_space<hbm>>)
      tpu.yield
    }) : () -> ()
    return
  }
}

module attributes {stable_mosaic.version = 14 : i64} {
  func.func @body(%arg0: i32, %arg1: memref<2x1000x144xf32, #tpu.memory_space<vmem>>, %arg2: memref<1000x128xf32, #tpu.memory_space<vmem>>, %arg3: memref<128x128xf32, #tpu.memory_space<vmem>>, %arg4: memref<128x128xf32, #tpu.memory_space<vmem>>, %arg5: memref<1x128xf32, #tpu.memory_space<vmem>>, %arg6: memref<1000x128xf32, #tpu.memory_space<vmem>>, %arg7: memref<1000x128xf32, #tpu.memory_space<vmem>>) attributes {dimension_semantics = [#tpu.dimension_semantics<arbitrary>], iteration_bounds = array<i64: 10>, scalar_prefetch = 0 : i64, scratch_operands = 0 : i64, tpu.core_type = #tpu.core_type<tc>, window_params = [{transform_indices = @transform_0, window_bounds = array<i64: 2, 1000, 144>}, {transform_indices = @transform_1, window_bounds = array<i64: 1000, 128>}, {pipeline_mode = #tpu.pipeline_mode<synchronous>, transform_indices = @transform_2, window_bounds = array<i64: 128, 128>}, {pipeline_mode = #tpu.pipeline_mode<synchronous>, transform_indices = @transform_3, window_bounds = array<i64: 128, 128>}, {pipeline_mode = #tpu.pipeline_mode<synchronous>, transform_indices = @transform_4, window_bounds = array<i64: 1, 128>}, {transform_indices = @transform_5, window_bounds = array<i64: 1000, 128>}, {transform_indices = @transform_6, window_bounds = array<i64: 1000, 128>}]} {
    %get3A = arith.constant 0 : index
    %get3A_0 = arith.constant 0 : index
    %get3A_1 = arith.constant 0 : index
    %get3A_2 = vector.load %arg1[%get3A, %get3A_0, %get3A_1] : memref<2x1000x144xf32, #tpu.memory_space<vmem>>, vector<1x1000x144xf32>
    %get3A_3 = vector.shape_cast %get3A_2 : vector<1x1000x144xf32> to vector<1000x144xf32>
    %get3A_4 = arith.constant 1 : index
    %get3A_5 = arith.constant 0 : index
    %get3A_6 = arith.constant 0 : index
    %get3A_7 = vector.load %arg1[%get3A_4, %get3A_5, %get3A_6] : memref<2x1000x144xf32, #tpu.memory_space<vmem>>, vector<1x1000x144xf32>
    %get3A_8 = vector.shape_cast %get3A_7 : vector<1x1000x144xf32> to vector<1000x144xf32>
    %add3A = arith.addf %get3A_3, %get3A_8 : vector<1000x144xf32>
    %slice3A = vector.extract_strided_slice %add3A {offsets = [0, 0], sizes = [1000, 128], strides = [1, 1]} : vector<1000x144xf32> to vector<1000x128xf32>
    %slice3A_9 = vector.extract_strided_slice %add3A {offsets = [0, 128], sizes = [1000, 1], strides = [1, 1]} : vector<1000x144xf32> to vector<1000x1xf32>
    %max3A = arith.constant 1.000000e+00 : f32
    %max3A_10 = vector.broadcast %max3A : f32 to vector<1000x1xf32>
    %max3A_11 = arith.maximumf %slice3A_9, %max3A_10 : vector<1000x1xf32>
    %div3A = arith.constant 1.000000e+00 : f32
    %div3A_12 = vector.broadcast %div3A : f32 to vector<1000x1xf32>
    %div3A_13 = arith.divf %div3A_12, %max3A_11 : vector<1000x1xf32>
    %mul3A = vector.broadcast %div3A_13 : vector<1000x1xf32> to vector<1000x128xf32>
    %mul3A_14 = arith.mulf %slice3A, %mul3A : vector<1000x128xf32>
    %get3A_15 = arith.constant 0 : index
    %get3A_16 = arith.constant 0 : index
    %get3A_17 = vector.load %arg3[%get3A_15, %get3A_16] : memref<128x128xf32, #tpu.memory_space<vmem>>, vector<128x128xf32>
    %dot_general3A = arith.constant dense<0.000000e+00> : vector<1000x128xf32>
    %dot_general3A_18 = tpu.matmul %mul3A_14, %get3A_17, %dot_general3A {dimension_numbers = #tpu.dot_dimension_numbers<[1], [0], [0], [1], [0, 0, 1, 1], [], []>, transpose_lhs_hint = false} : vector<1000x128xf32>, vector<128x128xf32>, vector<1000x128xf32> -> vector<1000x128xf32>
    %get3A_19 = arith.constant 0 : index
    %get3A_20 = arith.constant 0 : index
    %get3A_21 = vector.load %arg2[%get3A_19, %get3A_20] : memref<1000x128xf32, #tpu.memory_space<vmem>>, vector<1000x128xf32>
    %get3A_22 = arith.constant 0 : index
    %get3A_23 = arith.constant 0 : index
    %get3A_24 = vector.load %arg4[%get3A_22, %get3A_23] : memref<128x128xf32, #tpu.memory_space<vmem>>, vector<128x128xf32>
    %dot_general3A_25 = arith.constant dense<0.000000e+00> : vector<1000x128xf32>
    %dot_general3A_26 = tpu.matmul %get3A_21, %get3A_24, %dot_general3A_25 {dimension_numbers = #tpu.dot_dimension_numbers<[1], [0], [0], [1], [0, 0, 1, 1], [], []>, transpose_lhs_hint = false} : vector<1000x128xf32>, vector<128x128xf32>, vector<1000x128xf32> -> vector<1000x128xf32>
    %add3A_27 = arith.addf %dot_general3A_18, %dot_general3A_26 : vector<1000x128xf32>
    %get3A_28 = arith.constant 0 : index
    %get3A_29 = arith.constant 0 : index
    %get3A_30 = vector.load %arg5[%get3A_28, %get3A_29] : memref<1x128xf32, #tpu.memory_space<vmem>>, vector<1x128xf32>
    %add3A_31 = vector.broadcast %get3A_30 : vector<1x128xf32> to vector<1000x128xf32>
    %add3A_32 = arith.addf %add3A_27, %add3A_31 : vector<1000x128xf32>
    %max3A_33 = arith.constant 0.000000e+00 : f32
    %max3A_34 = vector.broadcast %max3A_33 : f32 to vector<1000x128xf32>
    %max3A_35 = arith.maximumf %add3A_32, %max3A_34 : vector<1000x128xf32>
    %swap3A = arith.constant 0 : index
    %swap3A_36 = arith.constant 0 : index
    %swap3A_37 = vector.load %arg6[%swap3A, %swap3A_36] : memref<1000x128xf32, #tpu.memory_space<vmem>>, vector<1000x128xf32>
    tpu.vector_store %arg6[%swap3A, %swap3A_36], %max3A_35 {strides = array<i32>} : memref<1000x128xf32, #tpu.memory_space<vmem>>, vector<1000x128xf32>,
    %broadcast_in_dim3A = vector.shape_cast %div3A_13 : vector<1000x1xf32> to vector<1000x1xf32>
    %broadcast_in_dim3A_38 = vector.broadcast %broadcast_in_dim3A : vector<1000x1xf32> to vector<1000x128xf32>
    %swap3A_39 = arith.constant 0 : index
    %swap3A_40 = arith.constant 0 : index
    %swap3A_41 = vector.load %arg7[%swap3A_39, %swap3A_40] : memref<1000x128xf32, #tpu.memory_space<vmem>>, vector<1000x128xf32>
    tpu.vector_store %arg7[%swap3A_39, %swap3A_40], %broadcast_in_dim3A_38 {strides = array<i32>} : memref<1000x128xf32, #tpu.memory_space<vmem>>, vector<1000x128xf32>,
    return
  }
  func.func @transform_0(%arg0: i32) -> (i32, i32, i32) {
    %c0_i32 = arith.constant 0 : i32
    %c0_i32_0 = arith.constant 0 : i32
    %c0_i32_1 = arith.constant 0 : i32
    return %c0_i32, %arg0, %c0_i32_0 : i32, i32, i32
  }
  func.func @transform_1(%arg0: i32) -> (i32, i32) {
    %c0_i32 = arith.constant 0 : i32
    %c0_i32_0 = arith.constant 0 : i32
    return %arg0, %c0_i32 : i32, i32
  }
  func.func @transform_2(%arg0: i32) -> (i32, i32) {
    %c0_i32 = arith.constant 0 : i32
    %c0_i32_0 = arith.constant 0 : i32
    %c0_i32_1 = arith.constant 0 : i32
    return %c0_i32, %c0_i32_0 : i32, i32
  }
  func.func @transform_3(%arg0: i32) -> (i32, i32) {
    %c0_i32 = arith.constant 0 : i32
    %c0_i32_0 = arith.constant 0 : i32
    %c0_i32_1 = arith.constant 0 : i32
    return %c0_i32, %c0_i32_0 : i32, i32
  }
  func.func @transform_4(%arg0: i32) -> (i32, i32) {
    %c0_i32 = arith.constant 0 : i32
    %c0_i32_0 = arith.constant 0 : i32
    %c0_i32_1 = arith.constant 0 : i32
    return %c0_i32, %c0_i32_0 : i32, i32
  }
  func.func @transform_5(%arg0: i32) -> (i32, i32) {
    %c0_i32 = arith.constant 0 : i32
    %c0_i32_0 = arith.constant 0 : i32
    return %arg0, %c0_i32 : i32, i32
  }
  func.func @transform_6(%arg0: i32) -> (i32, i32) {
    %c0_i32 = arith.constant 0 : i32
    %c0_i32_0 = arith.constant 0 : i32
    return %arg0, %c0_i32 : i32, i32
  }
}

module attributes {stable_mosaic.version = 14 : i64} {
  func.func @body(%arg0: i32, %arg1: memref<2x1000x128xf32, #tpu.memory_space<vmem>>, %arg2: memref<1000x128xf32, #tpu.memory_space<vmem>>, %arg3: memref<1000x128xf32, #tpu.memory_space<vmem>>, %arg4: memref<128x128xf32, #tpu.memory_space<vmem>>, %arg5: memref<128x128xf32, #tpu.memory_space<vmem>>, %arg6: memref<1x128xf32, #tpu.memory_space<vmem>>, %arg7: memref<1000x128xf32, #tpu.memory_space<vmem>>) attributes {dimension_semantics = [#tpu.dimension_semantics<arbitrary>], iteration_bounds = array<i64: 10>, scalar_prefetch = 0 : i64, scratch_operands = 0 : i64, tpu.core_type = #tpu.core_type<tc>, window_params = [{transform_indices = @transform_0, window_bounds = array<i64: 2, 1000, 128>}, {transform_indices = @transform_1, window_bounds = array<i64: 1000, 128>}, {transform_indices = @transform_2, window_bounds = array<i64: 1000, 128>}, {pipeline_mode = #tpu.pipeline_mode<synchronous>, transform_indices = @transform_3, window_bounds = array<i64: 128, 128>}, {pipeline_mode = #tpu.pipeline_mode<synchronous>, transform_indices = @transform_4, window_bounds = array<i64: 128, 128>}, {pipeline_mode = #tpu.pipeline_mode<synchronous>, transform_indices = @transform_5, window_bounds = array<i64: 1, 128>}, {transform_indices = @transform_6, window_bounds = array<i64: 1000, 128>}]} {
    %get3A = arith.constant 0 : index
    %get3A_0 = arith.constant 0 : index
    %get3A_1 = arith.constant 0 : index
    %get3A_2 = vector.load %arg1[%get3A, %get3A_0, %get3A_1] : memref<2x1000x128xf32, #tpu.memory_space<vmem>>, vector<1x1000x128xf32>
    %get3A_3 = vector.shape_cast %get3A_2 : vector<1x1000x128xf32> to vector<1000x128xf32>
    %get3A_4 = arith.constant 1 : index
    %get3A_5 = arith.constant 0 : index
    %get3A_6 = arith.constant 0 : index
    %get3A_7 = vector.load %arg1[%get3A_4, %get3A_5, %get3A_6] : memref<2x1000x128xf32, #tpu.memory_space<vmem>>, vector<1x1000x128xf32>
    %get3A_8 = vector.shape_cast %get3A_7 : vector<1x1000x128xf32> to vector<1000x128xf32>
    %add3A = arith.addf %get3A_3, %get3A_8 : vector<1000x128xf32>
    %get3A_9 = arith.constant 0 : index
    %get3A_10 = arith.constant 0 : index
    %get3A_11 = vector.load %arg3[%get3A_9, %get3A_10] : memref<1000x128xf32, #tpu.memory_space<vmem>>, vector<1000x128xf32>
    %mul3A = arith.mulf %add3A, %get3A_11 : vector<1000x128xf32>
    %get3A_12 = arith.constant 0 : index
    %get3A_13 = arith.constant 0 : index
    %get3A_14 = vector.load %arg4[%get3A_12, %get3A_13] : memref<128x128xf32, #tpu.memory_space<vmem>>, vector<128x128xf32>
    %dot_general3A = arith.constant dense<0.000000e+00> : vector<1000x128xf32>
    %dot_general3A_15 = tpu.matmul %mul3A, %get3A_14, %dot_general3A {dimension_numbers = #tpu.dot_dimension_numbers<[1], [0], [0], [1], [0, 0, 1, 1], [], []>, transpose_lhs_hint = false} : vector<1000x128xf32>, vector<128x128xf32>, vector<1000x128xf32> -> vector<1000x128xf32>
    %get3A_16 = arith.constant 0 : index
    %get3A_17 = arith.constant 0 : index
    %get3A_18 = vector.load %arg2[%get3A_16, %get3A_17] : memref<1000x128xf32, #tpu.memory_space<vmem>>, vector<1000x128xf32>
    %get3A_19 = arith.constant 0 : index
    %get3A_20 = arith.constant 0 : index
    %get3A_21 = vector.load %arg5[%get3A_19, %get3A_20] : memref<128x128xf32, #tpu.memory_space<vmem>>, vector<128x128xf32>
    %dot_general3A_22 = arith.constant dense<0.000000e+00> : vector<1000x128xf32>
    %dot_general3A_23 = tpu.matmul %get3A_18, %get3A_21, %dot_general3A_22 {dimension_numbers = #tpu.dot_dimension_numbers<[1], [0], [0], [1], [0, 0, 1, 1], [], []>, transpose_lhs_hint = false} : vector<1000x128xf32>, vector<128x128xf32>, vector<1000x128xf32> -> vector<1000x128xf32>
    %add3A_24 = arith.addf %dot_general3A_15, %dot_general3A_23 : vector<1000x128xf32>
    %get3A_25 = arith.constant 0 : index
    %get3A_26 = arith.constant 0 : index
    %get3A_27 = vector.load %arg6[%get3A_25, %get3A_26] : memref<1x128xf32, #tpu.memory_space<vmem>>, vector<1x128xf32>
    %add3A_28 = vector.broadcast %get3A_27 : vector<1x128xf32> to vector<1000x128xf32>
    %add3A_29 = arith.addf %add3A_24, %add3A_28 : vector<1000x128xf32>
    %max3A = arith.constant 0.000000e+00 : f32
    %max3A_30 = vector.broadcast %max3A : f32 to vector<1000x128xf32>
    %max3A_31 = arith.maximumf %add3A_29, %max3A_30 : vector<1000x128xf32>
    %swap3A = arith.constant 0 : index
    %swap3A_32 = arith.constant 0 : index
    %swap3A_33 = vector.load %arg7[%swap3A, %swap3A_32] : memref<1000x128xf32, #tpu.memory_space<vmem>>, vector<1000x128xf32>
    tpu.vector_store %arg7[%swap3A, %swap3A_32], %max3A_31 {strides = array<i32>} : memref<1000x128xf32, #tpu.memory_space<vmem>>, vector<1000x128xf32>,
    return
  }
  func.func @transform_0(%arg0: i32) -> (i32, i32, i32) {
    %c0_i32 = arith.constant 0 : i32
    %c0_i32_0 = arith.constant 0 : i32
    %c0_i32_1 = arith.constant 0 : i32
    return %c0_i32, %arg0, %c0_i32_0 : i32, i32, i32
  }
  func.func @transform_1(%arg0: i32) -> (i32, i32) {
    %c0_i32 = arith.constant 0 : i32
    %c0_i32_0 = arith.constant 0 : i32
    return %arg0, %c0_i32 : i32, i32
  }
  func.func @transform_2(%arg0: i32) -> (i32, i32) {
    %c0_i32 = arith.constant 0 : i32
    %c0_i32_0 = arith.constant 0 : i32
    return %arg0, %c0_i32 : i32, i32
  }
  func.func @transform_3(%arg0: i32) -> (i32, i32) {
    %c0_i32 = arith.constant 0 : i32
    %c0_i32_0 = arith.constant 0 : i32
    %c0_i32_1 = arith.constant 0 : i32
    return %c0_i32, %c0_i32_0 : i32, i32
  }
  func.func @transform_4(%arg0: i32) -> (i32, i32) {
    %c0_i32 = arith.constant 0 : i32
    %c0_i32_0 = arith.constant 0 : i32
    %c0_i32_1 = arith.constant 0 : i32
    return %c0_i32, %c0_i32_0 : i32, i32
  }
  func.func @transform_5(%arg0: i32) -> (i32, i32) {
    %c0_i32 = arith.constant 0 : i32
    %c0_i32_0 = arith.constant 0 : i32
    %c0_i32_1 = arith.constant 0 : i32
    return %c0_i32, %c0_i32_0 : i32, i32
  }
  func.func @transform_6(%arg0: i32) -> (i32, i32) {
    %c0_i32 = arith.constant 0 : i32
    %c0_i32_0 = arith.constant 0 : i32
    return %arg0, %c0_i32 : i32, i32
  }
}

module attributes {stable_mosaic.version = 14 : i64} {
  func.func @body(%arg0: i32, %arg1: memref<2x1000x128xf32, #tpu.memory_space<vmem>>, %arg2: memref<1000x128xf32, #tpu.memory_space<vmem>>, %arg3: memref<1000x128xf32, #tpu.memory_space<vmem>>, %arg4: memref<128x128xf32, #tpu.memory_space<vmem>>, %arg5: memref<128x128xf32, #tpu.memory_space<vmem>>, %arg6: memref<1x128xf32, #tpu.memory_space<vmem>>, %arg7: memref<1000x128xf32, #tpu.memory_space<vmem>>) attributes {dimension_semantics = [#tpu.dimension_semantics<arbitrary>], iteration_bounds = array<i64: 10>, scalar_prefetch = 0 : i64, scratch_operands = 0 : i64, tpu.core_type = #tpu.core_type<tc>, window_params = [{transform_indices = @transform_0, window_bounds = array<i64: 2, 1000, 128>}, {transform_indices = @transform_1, window_bounds = array<i64: 1000, 128>}, {transform_indices = @transform_2, window_bounds = array<i64: 1000, 128>}, {pipeline_mode = #tpu.pipeline_mode<synchronous>, transform_indices = @transform_3, window_bounds = array<i64: 128, 128>}, {pipeline_mode = #tpu.pipeline_mode<synchronous>, transform_indices = @transform_4, window_bounds = array<i64: 128, 128>}, {pipeline_mode = #tpu.pipeline_mode<synchronous>, transform_indices = @transform_5, window_bounds = array<i64: 1, 128>}, {transform_indices = @transform_6, window_bounds = array<i64: 1000, 128>}]} {
    %get3A = arith.constant 0 : index
    %get3A_0 = arith.constant 0 : index
    %get3A_1 = arith.constant 0 : index
    %get3A_2 = vector.load %arg1[%get3A, %get3A_0, %get3A_1] : memref<2x1000x128xf32, #tpu.memory_space<vmem>>, vector<1x1000x128xf32>
    %get3A_3 = vector.shape_cast %get3A_2 : vector<1x1000x128xf32> to vector<1000x128xf32>
    %get3A_4 = arith.constant 1 : index
    %get3A_5 = arith.constant 0 : index
    %get3A_6 = arith.constant 0 : index
    %get3A_7 = vector.load %arg1[%get3A_4, %get3A_5, %get3A_6] : memref<2x1000x128xf32, #tpu.memory_space<vmem>>, vector<1x1000x128xf32>
    %get3A_8 = vector.shape_cast %get3A_7 : vector<1x1000x128xf32> to vector<1000x128xf32>
    %add3A = arith.addf %get3A_3, %get3A_8 : vector<1000x128xf32>
    %get3A_9 = arith.constant 0 : index
    %get3A_10 = arith.constant 0 : index
    %get3A_11 = vector.load %arg3[%get3A_9, %get3A_10] : memref<1000x128xf32, #tpu.memory_space<vmem>>, vector<1000x128xf32>
    %mul3A = arith.mulf %add3A, %get3A_11 : vector<1000x128xf32>
    %get3A_12 = arith.constant 0 : index
    %get3A_13 = arith.constant 0 : index
    %get3A_14 = vector.load %arg4[%get3A_12, %get3A_13] : memref<128x128xf32, #tpu.memory_space<vmem>>, vector<128x128xf32>
    %dot_general3A = arith.constant dense<0.000000e+00> : vector<1000x128xf32>
    %dot_general3A_15 = tpu.matmul %mul3A, %get3A_14, %dot_general3A {dimension_numbers = #tpu.dot_dimension_numbers<[1], [0], [0], [1], [0, 0, 1, 1], [], []>, transpose_lhs_hint = false} : vector<1000x128xf32>, vector<128x128xf32>, vector<1000x128xf32> -> vector<1000x128xf32>
    %get3A_16 = arith.constant 0 : index
    %get3A_17 = arith.constant 0 : index
    %get3A_18 = vector.load %arg2[%get3A_16, %get3A_17] : memref<1000x128xf32, #tpu.memory_space<vmem>>, vector<1000x128xf32>
    %get3A_19 = arith.constant 0 : index
    %get3A_20 = arith.constant 0 : index
    %get3A_21 = vector.load %arg5[%get3A_19, %get3A_20] : memref<128x128xf32, #tpu.memory_space<vmem>>, vector<128x128xf32>
    %dot_general3A_22 = arith.constant dense<0.000000e+00> : vector<1000x128xf32>
    %dot_general3A_23 = tpu.matmul %get3A_18, %get3A_21, %dot_general3A_22 {dimension_numbers = #tpu.dot_dimension_numbers<[1], [0], [0], [1], [0, 0, 1, 1], [], []>, transpose_lhs_hint = false} : vector<1000x128xf32>, vector<128x128xf32>, vector<1000x128xf32> -> vector<1000x128xf32>
    %add3A_24 = arith.addf %dot_general3A_15, %dot_general3A_23 : vector<1000x128xf32>
    %get3A_25 = arith.constant 0 : index
    %get3A_26 = arith.constant 0 : index
    %get3A_27 = vector.load %arg6[%get3A_25, %get3A_26] : memref<1x128xf32, #tpu.memory_space<vmem>>, vector<1x128xf32>
    %add3A_28 = vector.broadcast %get3A_27 : vector<1x128xf32> to vector<1000x128xf32>
    %add3A_29 = arith.addf %add3A_24, %add3A_28 : vector<1000x128xf32>
    %max3A = arith.constant 0.000000e+00 : f32
    %max3A_30 = vector.broadcast %max3A : f32 to vector<1000x128xf32>
    %max3A_31 = arith.maximumf %add3A_29, %max3A_30 : vector<1000x128xf32>
    %swap3A = arith.constant 0 : index
    %swap3A_32 = arith.constant 0 : index
    %swap3A_33 = vector.load %arg7[%swap3A, %swap3A_32] : memref<1000x128xf32, #tpu.memory_space<vmem>>, vector<1000x128xf32>
    tpu.vector_store %arg7[%swap3A, %swap3A_32], %max3A_31 {strides = array<i32>} : memref<1000x128xf32, #tpu.memory_space<vmem>>, vector<1000x128xf32>,
    return
  }
  func.func @transform_0(%arg0: i32) -> (i32, i32, i32) {
    %c0_i32 = arith.constant 0 : i32
    %c0_i32_0 = arith.constant 0 : i32
    %c0_i32_1 = arith.constant 0 : i32
    return %c0_i32, %arg0, %c0_i32_0 : i32, i32, i32
  }
  func.func @transform_1(%arg0: i32) -> (i32, i32) {
    %c0_i32 = arith.constant 0 : i32
    %c0_i32_0 = arith.constant 0 : i32
    return %arg0, %c0_i32 : i32, i32
  }
  func.func @transform_2(%arg0: i32) -> (i32, i32) {
    %c0_i32 = arith.constant 0 : i32
    %c0_i32_0 = arith.constant 0 : i32
    return %arg0, %c0_i32 : i32, i32
  }
  func.func @transform_3(%arg0: i32) -> (i32, i32) {
    %c0_i32 = arith.constant 0 : i32
    %c0_i32_0 = arith.constant 0 : i32
    %c0_i32_1 = arith.constant 0 : i32
    return %c0_i32, %c0_i32_0 : i32, i32
  }
  func.func @transform_4(%arg0: i32) -> (i32, i32) {
    %c0_i32 = arith.constant 0 : i32
    %c0_i32_0 = arith.constant 0 : i32
    %c0_i32_1 = arith.constant 0 : i32
    return %c0_i32, %c0_i32_0 : i32, i32
  }
  func.func @transform_5(%arg0: i32) -> (i32, i32) {
    %c0_i32 = arith.constant 0 : i32
    %c0_i32_0 = arith.constant 0 : i32
    %c0_i32_1 = arith.constant 0 : i32
    return %c0_i32, %c0_i32_0 : i32, i32
  }
  func.func @transform_6(%arg0: i32) -> (i32, i32) {
    %c0_i32 = arith.constant 0 : i32
    %c0_i32_0 = arith.constant 0 : i32
    return %arg0, %c0_i32 : i32, i32
  }
}

</mosaic_0001>

<sc_bundles>
// kernel: kernel.11.cloned.1.call-start
scs
__scs_entry_jumppad:
0x0: {  	(pc) =	sbr.rel $0x88, $3  }
0x1: {  	(tag) =	ssettag $0x0;
	lr =	simm.s32 $0x1  }
0x2: {  	[smem:$0x3F96] =	sst lr;
	_ =	strace $0xD0000000  }
0x3: {  	_ = 	snop  }
0x4: {  	_ = 	snop  }
0x5: {  	_ = 	snop  }
0x6: {  	_ = 	snop  }
0x7: {  	_ = 	snop  }
__scs_overlays_trampoline_lowered:
0x8: {  	[smem:$0x3FA5] =	sst s0  }
0x9: {  	[smem:$0x3FA6] =	sst s1  }
0xa: {  	[smem:$0x3FA7] =	sst s2  }
0xb: {  	[smem:$0x3FA8] =	sst s3  }
0xc: {  	[smem:$0x3FA9] =	sst s4  }
0xd: {  	[smem:$0x3FAA] =	sst s5  }
0xe: {  	[smem:$0x3FAB] =	sst s6  }
0xf: {  	[smem:$0x3FAC] =	sst s7  }
0x10: {  	[smem:$0x3FAD] =	sst s8  }
0x11: {  	[smem:$0x3FAE] =	sst s9;
	s0 =	simm.s32 @!p0 $0x0  }
0x12: {  	s1 =	sld [smem:$0x3F94];
	s0 =	simm.s32 @p0 $0x1  }
0x13: {  	[smem:$0x3FAF] =	sst s0;
	s0 =	simm.s32 @!p1 $0x0  }
0x14: {  	s2 =	sld [smem:$0x3F93];
	s0 =	simm.s32 @p1 $0x1  }
0x15: {  	[smem:$0x3FB0] =	sst s0;
	s0 =	simm.s32 @!p2 $0x0  }
0x16: {  	s3 =	sld [smem:$0x3FDB];
	s0 =	simm.s32 @p2 $0x1  }
0x17: {  	s4 =	simm.s32 $0x1BF5;
	[smem:$0x3FB2] =	sst s0  }
0x18: {  	s0 =	sld [smem:$0x3F95];
	_ =	swait.ge [sflag:s4], $0x0  }
0x19: {  	s7 =	sld [smem:$0x3F96]  }
0x1a: {  	s8 =	sadd.s32 $0xFFFFE003, lr  }
0x1b: {  	s9 =	sadd.s32 $0xFFFFFEF7, lr;
	s5 =	simm.s32 $0xFFFFFFFF;
	p2 =	slt.u32 s8, $0xFFFFF086  }
0x1c: {  	p1 =	slt.u32 s9, $0xF7A;
	s5 =	simm.s32 @!p2 $0x0  }
0x1d: {  	s5 =	simm.s32 @p1 $0x1;
	p0 =	seq.s32 s7, s2  }
0x1e: {  	s7 =	smul.u32 @!p0 $0xF7A, s2;
	p2 =	seq.s32 @!p0 s5, $0x0  }
0x1f: {  	s9 =	smul.u32 $0xF7A, s1;
	s8 =	simm.s32 @!p0 $0x1BF5;
	p2 =	por !p2, p0  }
0x20: {  	[sflag:s8] =	ssyncset.s32 @!p0 $0xFFFFF086;
	s6 =	sadd.s32 @!p0 s3, s7;
	s7 =	simm.s32 @!p0 $0x108  }
0x21: {  	s3 =	sadd.s32 s3, s9;
	s6 =	sadd.s32 @!p0 $0x88, s6;
	s7 =	simm.s32 @p2 $0x1082  }
0x22: {  	[simem:s7], [sflag:s8] =	dma.local @!p0 [hbm:s6], $0xF7A  }
0x23: {  	s9 =	sor.u32 $0xD0000000, s2;
	s6 =	simm.s32 $0x108;
	_ =	swait.ge @!p0 [sflag:s8], $0x0  }
0x24: {  	s3 =	sadd.s32 $0x88, s3;
	s6 =	simm.s32 @!p1 $0x1082;
	[sflag:s4] =	ssyncset.s32 $0xFFFFF086  }
0x25: {  	[simem:s6], [sflag:s4] =	dma.local [hbm:s3], $0xF7A  }
0x26: {  	[smem:$0x3F96] =	sst s1;
	(tag) =	ssettag s2;
	_ =	strace s9  }
0x27: {  	s1 =	sld [smem:$0x3FA6]  }
0x28: {  	s2 =	sld [smem:$0x3FA7]  }
0x29: {  	s4 =	sld [smem:$0x3FA9]  }
0x2a: {  	p0 =	seq.s32 s5, $0x0;
	s5 =	sld [smem:$0x3FAA]  }
0x2b: {  	s6 =	sld [smem:$0x3FAB]  }
0x2c: {  	s7 =	sld [smem:$0x3FAC]  }
0x2d: {  	s3 =	simm.s32 $0x108;
	s8 =	sld [smem:$0x3FAD]  }
0x2e: {  	s3 =	simm.s32 @!p0 $0x1082;
	s9 =	sld [smem:$0x3FAE]  }
0x2f: {  	lr =	sadd.s32 s0, s3;
	s0 =	sld [smem:$0x3FA5]  }
0x30: {  	s3 =	sld [smem:$0x3FA8]  }
0x31: {  	[smem:$0x3FB1] =	sst s10  }
0x32: {  	s10 =	sld [smem:$0x3FAF];
	_ =	sdelay $0x3  }
0x33: {  	p0 =	seq.s32 s10, $0x1;
	s10 =	sld [smem:$0x3FB1];
	_ =	sdelay $0x3  }
0x34: {  	[smem:$0x3FB1] =	sst s10  }
0x35: {  	s10 =	sld [smem:$0x3FB0];
	_ =	sdelay $0x3  }
0x36: {  	p1 =	seq.s32 s10, $0x1;
	s10 =	sld [smem:$0x3FB1];
	_ =	sdelay $0x3  }
0x37: {  	[smem:$0x3FB1] =	sst s10  }
0x38: {  	s10 =	sld [smem:$0x3FB2]  }
0x39: {  	_ = 	snop;
	(pc) =	sbr.ind lr, $3  }
0x3a: {  	_ = 	snop  }
0x3b: {  	_ = 	snop  }
0x3c: {  	p2 =	seq.s32 s10, $0x1;
	s10 =	sld [smem:$0x3FB1]  }
0x3d: {  	_ =	shalt  }
0x3e: {  	_ =	shalt  }
0x3f: {  	_ =	shalt  }
0x40: {  	_ =	shalt  }
0x41: {  	_ =	shalt  }
0x42: {  	_ =	shalt  }
0x43: {  	_ =	shalt  }
0x44: {  	_ =	shalt  }
0x45: {  	_ =	shalt  }
0x46: {  	_ =	shalt  }
0x47: {  	_ =	shalt  }
0x48: {  	_ =	shalt  }
0x49: {  	_ =	shalt  }
0x4a: {  	_ =	shalt  }
0x4b: {  	_ =	shalt  }
0x4c: {  	_ =	shalt  }
0x4d: {  	_ =	shalt  }
0x4e: {  	_ =	shalt  }
0x4f: {  	_ =	shalt  }
0x50: {  	_ =	shalt  }
0x51: {  	_ =	shalt  }
0x52: {  	_ =	shalt  }
0x53: {  	_ =	shalt  }
0x54: {  	_ =	shalt  }
0x55: {  	_ =	shalt  }
0x56: {  	_ =	shalt  }
0x57: {  	_ =	shalt  }
0x58: {  	_ =	shalt  }
0x59: {  	_ =	shalt  }
0x5a: {  	_ =	shalt  }
0x5b: {  	_ =	shalt  }
0x5c: {  	_ =	shalt  }
0x5d: {  	_ =	shalt  }
0x5e: {  	_ =	shalt  }
0x5f: {  	_ =	shalt  }
0x60: {  	_ =	shalt  }
0x61: {  	_ =	shalt  }
0x62: {  	_ =	shalt  }
0x63: {  	_ =	shalt  }
0x64: {  	_ =	shalt  }
0x65: {  	_ =	shalt  }
0x66: {  	_ =	shalt  }
0x67: {  	_ =	shalt  }
0x68: {  	_ =	shalt  }
0x69: {  	_ =	shalt  }
0x6a: {  	_ =	shalt  }
0x6b: {  	_ =	shalt  }
0x6c: {  	_ =	shalt  }
0x6d: {  	_ =	shalt  }
0x6e: {  	_ =	shalt  }
0x6f: {  	_ =	shalt  }
0x70: {  	_ =	shalt  }
0x71: {  	_ =	shalt  }
0x72: {  	_ =	shalt  }
0x73: {  	_ =	shalt  }
0x74: {  	_ =	shalt  }
0x75: {  	_ =	shalt  }
0x76: {  	_ =	shalt  }
0x77: {  	_ =	shalt  }
0x78: {  	_ =	shalt  }
0x79: {  	_ =	shalt  }
0x7a: {  	_ =	shalt  }
0x7b: {  	_ =	shalt  }
0x7c: {  	_ =	shalt  }
0x7d: {  	_ =	shalt  }
0x7e: {  	_ =	shalt  }
0x7f: {  	_ =	shalt  }
0x80: {  	_ =	shalt  }
0x81: {  	_ =	shalt  }
0x82: {  	_ =	shalt  }
0x83: {  	_ =	shalt  }
0x84: {  	_ =	shalt  }
0x85: {  	_ =	shalt  }
0x86: {  	_ =	shalt  }
0x87: {  	_ =	shalt  }
.Lfunc_end0:
.L_simem_size_0:
called_computation.1_lowered:
.L_overlay_start_0:
0x88: {  	s2 =	sld [smem:$0x3FD9]  }
0x89: {  	s3 =	sld [smem:$0x3FFE];
	_ =	sdelay $0x1  }
0x8a: {  	s1 =	srdreg.scid  }
0x8b: {  	s0 =	sand.u32 $0x1, s1  }
0x8c: {  	s17 =	sshll.u32 s0, $0xA;
	s2 =	sadd.s32 s3, s2  }
0x8d: {  	s2 =	sadd.s32 s2, s17  }
0x8e: {  	[smem:$0x3FBD] =	sst s2  }
0x8f: {  	_ = 	snop  }
0x90: {  	s2 =	sld [smem:$0x3FD0];
	(tm) =	ssettm $0x1  }
0x91: {  	s18 =	sld [smem:$0x3FFB];
	_ =	sdelay $0x3  }
0x92: {  	_ =	strace s18  }
0x93: {  	s3 =	sld [smem:$0x3FFC];
	_ =	sdelay $0x3  }
0x94: {  	_ =	strace s3  }
0x95: {  	s3 =	sld [smem:$0x3FFD];
	_ =	sdelay $0x3  }
0x96: {  	_ =	strace s3  }
0x97: {  	_ =	strace $0x8FFFFFFF  }
0x98: {  	s19 =	sld [smem:$0x3FDB];
	_ =	sdelay $0x1  }
0x99: {  	s4 =	simm.s32 $_scs_section_size  }
0x9a: {  	s5 =	simm.s32 $_size__tile_overlayer_lowered;
	s6 =	simm.s32 $_tile_overlayer_lowered  }
0x9b: {  	s22 =	simm.s32 $0x1BFF;
	s21 =	sshll.u32 s6, $0x1;
	s3 =	sadd.s32 s4, s19  }
0x9c: {  	s7 =	simm.s32 $0x0;
	s20 =	sshll.u32 s5, $0x1;
	s5 =	sadd.s32 s21, s3  }
0x9d: {  	[timem:s7], [sflag:s22] =	dma.local [hbm:s5], s20  }
0x9e: {  	_ =	swait.ge [sflag:s22], s20  }
0x9f: {  	s4 =	ssub.s32 $0x0, s20;
	[sflag:s22] =	ssyncset.done $0x0  }
0xa0: {  	[sflag:s22] =	ssyncadd.s32 s4;
	_ =	sdelay $0x1  }
0xa1: {  	s23 =	simm.s32 $0x1B8B  }
0xa2: {  	_ =	swait.ge [sflag:s23], $0x1  }
0xa3: {  	[sflag:s23] =	ssyncset.done $0x0  }
0xa4: {  	s25 =	simm.s32 $0x1B8E;
	s24 =	sld [smem:$0x3FFE];
	[sflag:s23] =	ssyncadd.s32 $0xFFFFFFFF  }
0xa5: {  	s26 =	simm.s32 $execute0_lowered;
	[smem:$0x3FD2] =	sst s25  }
0xa6: {  	s5 =	sshll.u32 s26, $0x1;
	_ =	strace $0x80000049;
	[dreg:$0x1] =	wrdreg $0xFFFFFFFF  }
0xa7: {  	s28 =	simm.s32 $_size_execute0_lowered;
	s3 =	sadd.s32 s3, s5;
	[dreg:$0x0] =	wrdreg $0x0  }
0xa8: {  	s5 =	sshll.u32 s28, $0x1;
	[dreg:$0x2] =	wrdreg s3  }
0xa9: {  	[dreg:$0x3] =	wrdreg s5  }
0xaa: {  	[dreg:$0x4] =	wrdreg $0xC0  }
0xab: {  	_ =	task [dreg:s7], $0x5FFFF  }
0xac: {  	[dreg:$0x1] =	wrdreg $0xFFFFFFFF  }
0xad: {  	[dreg:$0x0] =	wrdreg $0x60  }
0xae: {  	[dreg:$0x2] =	wrdreg s2  }
0xaf: {  	[dreg:$0x3] =	wrdreg s24  }
0xb0: {  	[dreg:$0x4] =	wrdreg $0x5A800  }
0xb1: {  	[dreg:$0x5] =	wrdreg $0x9  }
0xb2: {  	_ =	task.clear_ibuf [dreg:s7], $0x6FFFF;
	_ =	strace $0x90000049  }
0xb3: {  	s29 =	simm.s32 $0x9;
	_ =	strace $0x8000004B  }
0xb4: {  	_ =	swait.ge [sflag:s29], $0x1  }
0xb5: {  	[sflag:s29] =	ssyncadd.s32 $0xFFFFFFFF  }
0xb6: {  	_ =	strace $0x9000004B  }
0xb7: {  	_ =	sfence  }
0xb8: {  	s30 =	sld [smem:$0x0];
	_ =	sdelay $0x2  }
0xb9: {  	s31 =	sshll.u32 s1, $0xD;
	s1 =	sshrl.u32 s1, $0x2  }
0xba: {  	s3 =	sand.u32 $0x4000, s31;
	s1 =	sadd.s32 s1, s30  }
0xbb: {  	s0 =	sor.u32 s3, s0;
	s1 =	sshll.u32 s1, $0x11  }
0xbc: {  	s0 =	sor.u32 s1, s0  }
0xbd: {  	s0 =	sadd.s32 $0x8F2B, s0  }
0xbe: {  	[sflag:s0] =	ssyncadd.remote.s32 $0x1  }
0xbf: {  	_ =	sfence.sel $0xFFFF  }
0xc0: {  	[dreg:$0x0] =	wrdreg $0xFFFFFFFF;
	(pc) =	sbr.abs _section_cstart, $3  }
0xc1: {  	[dreg:$0x1] =	wrdreg $0xFFFFFFFF  }
0xc2: {  	_ =	task.clear_ibuf [dreg:s7], $0x2FFFF;
	_ =	strace $0x9FFFFFFF  }
0xc3: {  	(tm) =	ssettm $0x7FFFFFFF  }
tec
execute0_lowered:
.L_overlay_start_1:
0x0: {  	(tag) =	ssettag $0x1  }
0x1: {  	s1 =	rddreg [dreg:$0x0]  }
0x2: {  	s0 =	rddreg [dreg:$0x1]  }
0x3: {  	s2 =	rddreg [dreg:$0x2]  }
0x4: {  	s4 =	simm.s32 $0x0;
	s3 =	srdreg.scid;
	s8 =	stileid.u32  }
0x5: {  	s28 =	simm.s32 $0xA00;
	s29 =	simm.s32 $0x7D;
	s30 =	simm.s32 $0x1400  }
0x6: {  	s31 =	simm.s32 $0x1;
	[smem:$0x7FF] =	sst s4;
	s3 =	sand.u32 $0x1, s3  }
0x7: {  	s5 =	smul.u32 $0x50000, s8;
	s18 =	sadd.s32 $0xCA00, s0;
	s19 =	sadd.s32 $0x2A00, s0  }
0x8: {  	s10 =	smul.u32 $0x14000, s8;
	s0 =	sadd.s32 $0x16A00, s0;
	s12 =	sshll.u32 s8, $0x1  }
0x9: {  	_ =	strace $0x8000004A;
	s6 =	ssub.s32 $0x2, s3;
	s9 =	smul.u32 $0x140000, s3  }
0xa: {  	s3 =	sor.u32 s3, s12;
	s7 =	sshrl.u32 s6, $0x1;
	s5 =	sshrl.u32 s5, $0x2  }
0xb: {  	s14 =	sadd.s32 $0x4000, s10;
	s12 =	sadd.s32 $0x8000, s10;
	s21 =	sadd.s32 s10, s2  }
0xc: {  	s20 =	sadd.s32 $0xC000, s10;
	s3 =	smul.u32 $0x500, s3;
	s11 =	ssub.s32 s6, s7  }
0xd: {  	s13 =	sadd.s32 s10, s9;
	s5 =	sadd.s32 s5, s2;
	s15 =	sadd.s32 s9, s14  }
0xe: {  	s22 =	sadd.s32 s14, s2;
	s14 =	sadd.s32 $0x10000, s10;
	s23 =	sadd.s32 s12, s2  }
0xf: {  	s24 =	sadd.s32 s9, s20;
	s21 =	sshrl.u32 s21, $0x3;
	s6 =	sshrl.u32 s13, $0x3  }
0x10: {  	s7 =	sshrl.u32 s15, $0x3;
	s13 =	sadd.s32 s9, s12;
	s9 =	sadd.s32 s9, s14  }
0x11: {  	s10 =	sshrl.u32 s24, $0x3;
	s24 =	sadd.s32 s20, s2;
	s26 =	sadd.s32 s14, s2  }
0x12: {  	s11 =	smax.u32 s11, $0x1;
	s15 =	sadd.s32 $0x140, s3;
	s12 =	sadd.s32 s18, s3  }
0x13: {  	s20 =	simm.s32 $0x5280;
	s22 =	sshrl.u32 s22, $0x3;
	s23 =	sshrl.u32 s23, $0x3  }
0x14: {  	s6 =	sadd.s32 s0, s6;
	s16 =	sadd.s32 s0, s7;
	s17 =	sshrl.u32 s13, $0x3  }
0x15: {  	s25 =	sshrl.u32 s9, $0x3;
	s9 =	sadd.s32 s0, s10;
	s13 =	sadd.s32 s19, s3  }
0x16: {  	s14 =	sadd.s32 s18, s15;
	s15 =	sadd.s32 s19, s15;
	[dreg:$0x4] =	wrdreg s6  }
0x17: {  	s24 =	sshrl.u32 s24, $0x3;
	[dreg:$0x5] =	wrdreg s16;
	s8 =	sadd.s32 s0, s17  }
0x18: {  	s10 =	sadd.s32 s0, s25;
	s17 =	sadd.s32 $0x280, s3;
	s3 =	sadd.s32 $0x3C0, s3  }
0x19: {  	s25 =	sshrl.u32 s26, $0x3;
	s26 =	simm.s32 $0x2;
	s16 =	sadd.s32 s18, s17  }
0x1a: {  	v0 =	vimm.f32 $0.0e+00;
	s17 =	sadd.s32 s19, s17;
	s18 =	sadd.s32 s18, s3;
	s19 =	sadd.s32 s19, s3  }
.LBB2_1:
0x1b: {  	s0 =	simm.s32 $0x0;
	s3 =	simm.s32 $0x200  }
.LBB2_2:
0x1c: {  	p0 =	sne.s32 s3, $0x1E00;
	[tilespmem:s0+$0x52F0] =	vst v0  }
0x1d: {  	[tilespmem:s0+$0x5280] =	vst v0  }
0x1e: {  	[tilespmem:s0+$0x5290] =	vst v0  }
.Ltmp0:
0x1f: {  	[tilespmem:s0+$0x52A0] =	vst v0;
	(pc) =	sbr.rel @p0 .LBB2_2-.Ltmp0, $4  }
0x20: {  	[tilespmem:s0+$0x52B0] =	vst v0  }
0x21: {  	[tilespmem:s0+$0x52C0] =	vst v0  }
0x22: {  	[tilespmem:s0+$0x52D0] =	vst v0  }
0x23: {  	[tilespmem:s0+$0x52E0] =	vst v0;
	s0 =	sshra.s32 s3, $0x2;
	s3 =	sadd.s32 $0x200, s3  }
0x24: {  	[tilespmem:s0+$0x52F0] =	vst v0  }
0x25: {  	[tilespmem:s0+$0x5280] =	vst v0  }
0x26: {  	[tilespmem:s0+$0x5290] =	vst v0  }
0x27: {  	[tilespmem:s0+$0x52A0] =	vst v0  }
0x28: {  	[tilespmem:s0+$0x52B0] =	vst v0  }
0x29: {  	[tilespmem:s0+$0x52C0] =	vst v0  }
0x2a: {  	[tilespmem:s0+$0x52D0] =	vst v0  }
0x2b: {  	[tilespmem:s0+$0x52E0] =	vst v0;
	s7 =	sadd.s32 $0x0, s5  }
0x2c: {  	[spmem:s7] =	stream.linear.scatter [tilespmem:s20], [sflag:$0x2], $0x800, $0x38;
	[tilespmem:$0x19A80] =	vst v63  }
0x2d: {  	s0 =	simm.s32 $0x2000;
	_ =	swait.ge [sflag:s26], $0x800  }
.LBB2_4:
0x2e: {  	s3 =	sshra.s32 s0, $0x2;
	[sflag:s26] =	ssyncset.done $0x0;
	p0 =	sne.s32 s0, $0x4E000  }
.Ltmp1:
0x2f: {  	s3 =	sadd.s32 s3, s5;
	[sflag:s26] =	ssyncadd.s32 $0xFFFFF800;
	(pc) =	sbr.rel @p0 .LBB2_4-.Ltmp1, $3  }
0x30: {  	[spmem:s3] =	stream.linear.scatter [tilespmem:s20], [sflag:$0x2], $0x800, $0x38;
	[tilespmem:$0x19A80] =	vst v63  }
0x31: {  	s0 =	sadd.s32 $0x2000, s0;
	_ =	sdelay $0x1  }
0x32: {  	_ =	swait.ge [sflag:s26], $0x800  }
0x33: {  	[sflag:s26] =	ssyncset.done $0x0  }
0x34: {  	[sflag:s26] =	ssyncadd.s32 $0xFFFFF800  }
0x35: {  	s0 =	simm.s32 $0x0;
	[bflag:$0x0] =	sbarrier.arrive $0xFFFF  }
0x36: {  	[tilespmem:s0], [sflag:$0x2] =	stream.linear.gather [hbm4b:s12+s0], $0xA00, $0x38;
	[tilespmem:$0x19A80] =	vst v63  }
0x37: {  	_ =	swait.ge [sflag:s26], $0xA00  }
0x38: {  	[sflag:s26] =	ssyncset.done $0x0  }
0x39: {  	[sflag:s26] =	ssyncadd.s32 $0xFFFFF600  }
0x3a: {  	[tilespmem:s28], [sflag:$0x2] =	stream.linear.gather [hbm4b:s13+s0], $0xA00, $0x38;
	[tilespmem:$0x19A80] =	vst v63  }
0x3b: {  	_ =	swait.ge [sflag:s26], $0xA00  }
0x3c: {  	[sflag:s26] =	ssyncset.done $0x0  }
0x3d: {  	s6 =	simm.s32 $0x0;
	[sflag:s26] =	ssyncadd.s32 $0xFFFFF600  }
0x3e: {  	[tilespmem:s30], [sflag:$0x1] =	stream.indirect.gather [hbm4b:s1+s29], $0x80, s6, s29, $0xb8;
	[tilespmem:$0x19A80] =	vst v63  }
0x3f: {  	_ =	swait.ge [sflag:s31], $0x3E80  }
0x40: {  	[sflag:s31] =	ssyncset.done $0x0  }
0x41: {  	s7 =	simm.s32 $0xA00;
	[sflag:s31] =	ssyncadd.s32 $0xFFFFC180  }
0x42: {  	[spmem:s2] =	stream.indirect.scatter.add.f32 [tilespmem:s30], [sflag:$0x2], $0x80, s7, s29, $0xb8;
	[tilespmem:$0x19A80] =	vst v63  }
0x43: {  	_ =	swait.ge [sflag:s26], $0x3E80  }
0x44: {  	s3 =	simm.s32 $0x400;
	s0 =	simm.s32 $0x200;
	[sflag:s26] =	ssyncset.done $0x0  }
.LBB2_6:
0x45: {  	s6 =	sshra.s32 s0, $0x2  }
0x46: {  	[sflag:s26] =	ssyncadd.s32 $0xFFFFC180;
	s0 =	smov.u32 s3;
	s7 =	sadd.s32 $0x200, s3  }
0x47: {  	[tilespmem:s30], [sflag:$0x1] =	stream.indirect.gather [hbm4b:s1+s29], $0x80, s6, s29, $0xb8;
	[tilespmem:$0x19A80] =	vst v63  }
0x48: {  	p0 =	sne.s32 s3, $0x2600;
	_ =	swait.ge [sflag:s31], $0x3E80  }
.Ltmp2:
0x49: {  	[sflag:s31] =	ssyncset.done $0x0;
	(pc) =	sbr.rel @p0 .LBB2_6-.Ltmp2, $4  }
0x4a: {  	s3 =	sadd.s32 $0xA00, s6;
	[sflag:s31] =	ssyncadd.s32 $0xFFFFC180  }
0x4b: {  	[spmem:s2] =	stream.indirect.scatter.add.f32 [tilespmem:s30], [sflag:$0x2], $0x80, s3, s29, $0xb8;
	[tilespmem:$0x19A80] =	vst v63  }
0x4c: {  	_ =	swait.ge [sflag:s26], $0x3E80  }
0x4d: {  	s3 =	smov.u32 s7;
	[sflag:s26] =	ssyncset.done $0x0  }
0x4e: {  	s0 =	sshra.s32 s0, $0x2;
	[sflag:s26] =	ssyncadd.s32 $0xFFFFC180  }
0x4f: {  	[tilespmem:s30], [sflag:$0x1] =	stream.indirect.gather [hbm4b:s1+s29], $0x80, s0, s29, $0xb8;
	[tilespmem:$0x19A80] =	vst v63  }
0x50: {  	_ =	swait.ge [sflag:s31], $0x3E80  }
0x51: {  	[sflag:s31] =	ssyncset.done $0x0  }
0x52: {  	s0 =	sadd.s32 $0xA00, s0;
	[sflag:s31] =	ssyncadd.s32 $0xFFFFC180  }
0x53: {  	[spmem:s2] =	stream.indirect.scatter.add.f32 [tilespmem:s30], [sflag:$0x2], $0x80, s0, s29, $0xb8;
	[tilespmem:$0x19A80] =	vst v63  }
0x54: {  	_ =	swait.ge [sflag:s26], $0x3E80  }
0x55: {  	[sflag:s26] =	ssyncset.done $0x0  }
0x56: {  	s3 =	simm.s32 $0x0;
	[sflag:s26] =	ssyncadd.s32 $0xFFFFC180  }
0x57: {  	[tilespmem:s3], [sflag:$0x2] =	stream.linear.gather [hbm4b:s14+s3], $0xA00, $0x38;
	[tilespmem:$0x19A80] =	vst v63  }
0x58: {  	_ =	swait.ge [sflag:s26], $0xA00  }
0x59: {  	[sflag:s26] =	ssyncset.done $0x0  }
0x5a: {  	[sflag:s26] =	ssyncadd.s32 $0xFFFFF600  }
0x5b: {  	[tilespmem:s28], [sflag:$0x2] =	stream.linear.gather [hbm4b:s15+s3], $0xA00, $0x38;
	[tilespmem:$0x19A80] =	vst v63  }
0x5c: {  	_ =	swait.ge [sflag:s26], $0xA00  }
0x5d: {  	[sflag:s26] =	ssyncset.done $0x0  }
0x5e: {  	s6 =	simm.s32 $0x0;
	[sflag:s26] =	ssyncadd.s32 $0xFFFFF600  }
0x5f: {  	[tilespmem:s30], [sflag:$0x1] =	stream.indirect.gather [hbm4b:s1+s29], $0x80, s6, s29, $0xb8;
	[tilespmem:$0x19A80] =	vst v63  }
0x60: {  	_ =	swait.ge [sflag:s31], $0x3E80  }
0x61: {  	[sflag:s31] =	ssyncset.done $0x0  }
0x62: {  	s7 =	simm.s32 $0xA00;
	[sflag:s31] =	ssyncadd.s32 $0xFFFFC180  }
0x63: {  	[spmem:s2] =	stream.indirect.scatter.add.f32 [tilespmem:s30], [sflag:$0x2], $0x80, s7, s29, $0xb8;
	[tilespmem:$0x19A80] =	vst v63  }
0x64: {  	_ =	swait.ge [sflag:s26], $0x3E80  }
0x65: {  	s0 =	simm.s32 $0x200;
	s3 =	simm.s32 $0x400;
	[sflag:s26] =	ssyncset.done $0x0  }
.LBB2_8:
0x66: {  	s6 =	sshra.s32 s0, $0x2  }
0x67: {  	[sflag:s26] =	ssyncadd.s32 $0xFFFFC180;
	s0 =	smov.u32 s3;
	s7 =	sadd.s32 $0x200, s3  }
0x68: {  	[tilespmem:s30], [sflag:$0x1] =	stream.indirect.gather [hbm4b:s1+s29], $0x80, s6, s29, $0xb8;
	[tilespmem:$0x19A80] =	vst v63  }
0x69: {  	p0 =	sne.s32 s3, $0x2600;
	_ =	swait.ge [sflag:s31], $0x3E80  }
.Ltmp3:
0x6a: {  	[sflag:s31] =	ssyncset.done $0x0;
	(pc) =	sbr.rel @p0 .LBB2_8-.Ltmp3, $4  }
0x6b: {  	s3 =	sadd.s32 $0xA00, s6;
	[sflag:s31] =	ssyncadd.s32 $0xFFFFC180  }
0x6c: {  	[spmem:s2] =	stream.indirect.scatter.add.f32 [tilespmem:s30], [sflag:$0x2], $0x80, s3, s29, $0xb8;
	[tilespmem:$0x19A80] =	vst v63  }
0x6d: {  	_ =	swait.ge [sflag:s26], $0x3E80  }
0x6e: {  	s3 =	smov.u32 s7;
	[sflag:s26] =	ssyncset.done $0x0  }
0x6f: {  	s0 =	sshra.s32 s0, $0x2;
	[sflag:s26] =	ssyncadd.s32 $0xFFFFC180  }
0x70: {  	[tilespmem:s30], [sflag:$0x1] =	stream.indirect.gather [hbm4b:s1+s29], $0x80, s0, s29, $0xb8;
	[tilespmem:$0x19A80] =	vst v63  }
0x71: {  	_ =	swait.ge [sflag:s31], $0x3E80  }
0x72: {  	[sflag:s31] =	ssyncset.done $0x0  }
0x73: {  	s0 =	sadd.s32 $0xA00, s0;
	[sflag:s31] =	ssyncadd.s32 $0xFFFFC180  }
0x74: {  	[spmem:s2] =	stream.indirect.scatter.add.f32 [tilespmem:s30], [sflag:$0x2], $0x80, s0, s29, $0xb8;
	[tilespmem:$0x19A80] =	vst v63  }
0x75: {  	_ =	swait.ge [sflag:s26], $0x3E80  }
0x76: {  	[sflag:s26] =	ssyncset.done $0x0  }
0x77: {  	s3 =	simm.s32 $0x0;
	[sflag:s26] =	ssyncadd.s32 $0xFFFFC180  }
0x78: {  	[tilespmem:s3], [sflag:$0x2] =	stream.linear.gather [hbm4b:s16+s3], $0xA00, $0x38;
	[tilespmem:$0x19A80] =	vst v63  }
0x79: {  	_ =	swait.ge [sflag:s26], $0xA00  }
0x7a: {  	[sflag:s26] =	ssyncset.done $0x0  }
0x7b: {  	[sflag:s26] =	ssyncadd.s32 $0xFFFFF600  }
0x7c: {  	[tilespmem:s28], [sflag:$0x2] =	stream.linear.gather [hbm4b:s17+s3], $0xA00, $0x38;
	[tilespmem:$0x19A80] =	vst v63  }
0x7d: {  	_ =	swait.ge [sflag:s26], $0xA00  }
0x7e: {  	[sflag:s26] =	ssyncset.done $0x0  }
0x7f: {  	s6 =	simm.s32 $0x0;
	[sflag:s26] =	ssyncadd.s32 $0xFFFFF600  }
0x80: {  	[tilespmem:s30], [sflag:$0x1] =	stream.indirect.gather [hbm4b:s1+s29], $0x80, s6, s29, $0xb8;
	[tilespmem:$0x19A80] =	vst v63  }
0x81: {  	_ =	swait.ge [sflag:s31], $0x3E80  }
0x82: {  	[sflag:s31] =	ssyncset.done $0x0  }
0x83: {  	s7 =	simm.s32 $0xA00;
	[sflag:s31] =	ssyncadd.s32 $0xFFFFC180  }
0x84: {  	[spmem:s2] =	stream.indirect.scatter.add.f32 [tilespmem:s30], [sflag:$0x2], $0x80, s7, s29, $0xb8;
	[tilespmem:$0x19A80] =	vst v63  }
0x85: {  	_ =	swait.ge [sflag:s26], $0x3E80  }
0x86: {  	s0 =	simm.s32 $0x200;
	s3 =	simm.s32 $0x400;
	[sflag:s26] =	ssyncset.done $0x0  }
.LBB2_10:
0x87: {  	s6 =	sshra.s32 s0, $0x2  }
0x88: {  	[sflag:s26] =	ssyncadd.s32 $0xFFFFC180;
	s0 =	smov.u32 s3;
	s7 =	sadd.s32 $0x200, s3  }
0x89: {  	[tilespmem:s30], [sflag:$0x1] =	stream.indirect.gather [hbm4b:s1+s29], $0x80, s6, s29, $0xb8;
	[tilespmem:$0x19A80] =	vst v63  }
0x8a: {  	p0 =	sne.s32 s3, $0x2600;
	_ =	swait.ge [sflag:s31], $0x3E80  }
.Ltmp4:
0x8b: {  	[sflag:s31] =	ssyncset.done $0x0;
	(pc) =	sbr.rel @p0 .LBB2_10-.Ltmp4, $4  }
0x8c: {  	s3 =	sadd.s32 $0xA00, s6;
	[sflag:s31] =	ssyncadd.s32 $0xFFFFC180  }
0x8d: {  	[spmem:s2] =	stream.indirect.scatter.add.f32 [tilespmem:s30], [sflag:$0x2], $0x80, s3, s29, $0xb8;
	[tilespmem:$0x19A80] =	vst v63  }
0x8e: {  	_ =	swait.ge [sflag:s26], $0x3E80  }
0x8f: {  	s3 =	smov.u32 s7;
	[sflag:s26] =	ssyncset.done $0x0  }
0x90: {  	s0 =	sshra.s32 s0, $0x2;
	[sflag:s26] =	ssyncadd.s32 $0xFFFFC180  }
0x91: {  	[tilespmem:s30], [sflag:$0x1] =	stream.indirect.gather [hbm4b:s1+s29], $0x80, s0, s29, $0xb8;
	[tilespmem:$0x19A80] =	vst v63  }
0x92: {  	_ =	swait.ge [sflag:s31], $0x3E80  }
0x93: {  	[sflag:s31] =	ssyncset.done $0x0  }
0x94: {  	s0 =	sadd.s32 $0xA00, s0;
	[sflag:s31] =	ssyncadd.s32 $0xFFFFC180  }
0x95: {  	[spmem:s2] =	stream.indirect.scatter.add.f32 [tilespmem:s30], [sflag:$0x2], $0x80, s0, s29, $0xb8;
	[tilespmem:$0x19A80] =	vst v63  }
0x96: {  	_ =	swait.ge [sflag:s26], $0x3E80  }
0x97: {  	[sflag:s26] =	ssyncset.done $0x0  }
0x98: {  	s3 =	simm.s32 $0x0;
	[sflag:s26] =	ssyncadd.s32 $0xFFFFC180  }
0x99: {  	[tilespmem:s3], [sflag:$0x2] =	stream.linear.gather [hbm4b:s18+s3], $0xA00, $0x38;
	[tilespmem:$0x19A80] =	vst v63  }
0x9a: {  	_ =	swait.ge [sflag:s26], $0xA00  }
0x9b: {  	[sflag:s26] =	ssyncset.done $0x0  }
0x9c: {  	[sflag:s26] =	ssyncadd.s32 $0xFFFFF600  }
0x9d: {  	[tilespmem:s28], [sflag:$0x2] =	stream.linear.gather [hbm4b:s19+s3], $0xA00, $0x38;
	[tilespmem:$0x19A80] =	vst v63  }
0x9e: {  	_ =	swait.ge [sflag:s26], $0xA00  }
0x9f: {  	[sflag:s26] =	ssyncset.done $0x0  }
0xa0: {  	s6 =	simm.s32 $0x0;
	[sflag:s26] =	ssyncadd.s32 $0xFFFFF600  }
0xa1: {  	[tilespmem:s30], [sflag:$0x1] =	stream.indirect.gather [hbm4b:s1+s29], $0x80, s6, s29, $0xb8;
	[tilespmem:$0x19A80] =	vst v63  }
0xa2: {  	_ =	swait.ge [sflag:s31], $0x3E80  }
0xa3: {  	[sflag:s31] =	ssyncset.done $0x0  }
0xa4: {  	s7 =	simm.s32 $0xA00;
	[sflag:s31] =	ssyncadd.s32 $0xFFFFC180  }
0xa5: {  	[spmem:s2] =	stream.indirect.scatter.add.f32 [tilespmem:s30], [sflag:$0x2], $0x80, s7, s29, $0xb8;
	[tilespmem:$0x19A80] =	vst v63  }
0xa6: {  	_ =	swait.ge [sflag:s26], $0x3E80  }
0xa7: {  	s0 =	simm.s32 $0x200;
	s3 =	simm.s32 $0x400;
	[sflag:s26] =	ssyncset.done $0x0  }
.LBB2_12:
0xa8: {  	s6 =	sshra.s32 s0, $0x2  }
0xa9: {  	[sflag:s26] =	ssyncadd.s32 $0xFFFFC180;
	s0 =	smov.u32 s3;
	s7 =	sadd.s32 $0x200, s3  }
0xaa: {  	[tilespmem:s30], [sflag:$0x1] =	stream.indirect.gather [hbm4b:s1+s29], $0x80, s6, s29, $0xb8;
	[tilespmem:$0x19A80] =	vst v63  }
0xab: {  	p0 =	sne.s32 s3, $0x2600;
	_ =	swait.ge [sflag:s31], $0x3E80  }
.Ltmp5:
0xac: {  	[sflag:s31] =	ssyncset.done $0x0;
	(pc) =	sbr.rel @p0 .LBB2_12-.Ltmp5, $4  }
0xad: {  	s3 =	sadd.s32 $0xA00, s6;
	[sflag:s31] =	ssyncadd.s32 $0xFFFFC180  }
0xae: {  	[spmem:s2] =	stream.indirect.scatter.add.f32 [tilespmem:s30], [sflag:$0x2], $0x80, s3, s29, $0xb8;
	[tilespmem:$0x19A80] =	vst v63  }
0xaf: {  	_ =	swait.ge [sflag:s26], $0x3E80  }
0xb0: {  	s3 =	smov.u32 s7;
	[sflag:s26] =	ssyncset.done $0x0  }
0xb1: {  	s0 =	sshra.s32 s0, $0x2;
	[sflag:s26] =	ssyncadd.s32 $0xFFFFC180  }
0xb2: {  	[tilespmem:s30], [sflag:$0x1] =	stream.indirect.gather [hbm4b:s1+s29], $0x80, s0, s29, $0xb8;
	[tilespmem:$0x19A80] =	vst v63  }
0xb3: {  	_ =	swait.ge [sflag:s31], $0x3E80  }
0xb4: {  	[sflag:s31] =	ssyncset.done $0x0  }
0xb5: {  	s0 =	sadd.s32 $0xA00, s0;
	[sflag:s31] =	ssyncadd.s32 $0xFFFFC180  }
0xb6: {  	[spmem:s2] =	stream.indirect.scatter.add.f32 [tilespmem:s30], [sflag:$0x2], $0x80, s0, s29, $0xb8;
	[tilespmem:$0x19A80] =	vst v63  }
0xb7: {  	_ =	swait.ge [sflag:s26], $0x3E80  }
0xb8: {  	[sflag:s26] =	ssyncset.done $0x0  }
0xb9: {  	s6 =	stileid.u32;
	[sflag:s26] =	ssyncadd.s32 $0xFFFFC180  }
0xba: {  	s0 =	sshll.u32 s6, $0x6;
	[bflag:$0x0] =	sbarrier.arrive $0xFFFF  }
0xbb: {  	s0 =	sor.u32 $0x1C02, s0;
	s3 =	rddreg [dreg:$0x4]  }
0xbc: {  	[hbm:s3], [sflag:s0] =	dma.local [spmem:s21], $0x800  }
0xbd: {  	_ =	swait.ge [sflag:s26], $0x800  }
0xbe: {  	[sflag:s26] =	ssyncset.done $0x0  }
0xbf: {  	s7 =	rddreg [dreg:$0x5];
	[sflag:s26] =	ssyncadd.s32 $0xFFFFF800  }
0xc0: {  	[hbm:s7], [sflag:s0] =	dma.local [spmem:s22], $0x800  }
0xc1: {  	_ =	swait.ge [sflag:s26], $0x800  }
0xc2: {  	[sflag:s26] =	ssyncset.done $0x0  }
0xc3: {  	[sflag:s26] =	ssyncadd.s32 $0xFFFFF800  }
0xc4: {  	[hbm:s8], [sflag:s0] =	dma.local [spmem:s23], $0x800  }
0xc5: {  	_ =	swait.ge [sflag:s26], $0x800  }
0xc6: {  	[sflag:s26] =	ssyncset.done $0x0  }
0xc7: {  	[sflag:s26] =	ssyncadd.s32 $0xFFFFF800  }
0xc8: {  	[hbm:s9], [sflag:s0] =	dma.local [spmem:s24], $0x800  }
0xc9: {  	s4 =	sadd.s32 $0x1, s4;
	_ =	swait.ge [sflag:s26], $0x800  }
0xca: {  	p0 =	sne.s32 s4, s11;
	[sflag:s26] =	ssyncset.done $0x0  }
.Ltmp6:
0xcb: {  	[sflag:s26] =	ssyncadd.s32 $0xFFFFF800;
	(pc) =	sbr.rel @p0 .LBB2_1-.Ltmp6, $4  }
0xcc: {  	[hbm:s10], [sflag:s0] =	dma.local [spmem:s25], $0x800  }
0xcd: {  	_ =	swait.ge [sflag:s26], $0x800  }
0xce: {  	[sflag:s26] =	ssyncset.done $0x0  }
0xcf: {  	[sflag:s26] =	ssyncadd.s32 $0xFFFFF800  }
0xd0: {  	_ =	sfence.sel $0x180000  }
0xd1: {  	[bflag:$0x0] =	sbarrier.arrive $0xFFFF  }
0xd2: {  	_ =	strace $0x9000004A  }
0xd3: {  	s0 =	stileid.u32;
	[bflag:$0x2] =	sbarrier.arrive $0xFFFF  }
0xd4: {  	p0 =	sne.s32 s0, $0x0;
	s0 =	rddreg [dreg:$0x3]  }
0xd5: {  	s0 =	sadd.s32 @!p0 $0x100000, s0  }
0xd6: {  	[sflag:s0] =	ssyncadd.tile.s32 @!p0 $0x1;
	_ =	shalt  }
.Lfunc_end2:
_tile_overlayer_lowered:
.L_overlay_start_2:
0xd7: {  	(tag) =	ssettag $0x2  }
0xd8: {  	s0 =	rddreg [dreg:$0x0];
	s2 =	stileid.u32  }
0xd9: {  	s1 =	rddreg [dreg:$0x1];
	p0 =	sne.s32 s2, $0x0  }
0xda: {  	s3 =	rddreg [dreg:$0x2];
	[bflag:$0x3] =	sbarrier.arrive $0xFFFF;
	s2 =	simm.s32 @!p0 $0x1C02  }
0xdb: {  	[timem:s3], [sflag:s2] =	dma.local @!p0 [hbm:s0], s1  }
0xdc: {  	s0 =	simm.s32 @!p0 $0x2  }
0xdd: {  	_ =	swait.ge @!p0 [sflag:s0], s1  }
0xde: {  	s1 =	ssub.s32 @!p0 $0x0, s1;
	[sflag:s0] =	ssyncset.done @!p0 $0x0  }
0xdf: {  	[sflag:s0] =	ssyncadd.s32 @!p0 s1  }
0xe0: {  	[bflag:$0x3] =	sbarrier.arrive $0xFFFF  }
0xe1: {  	_ =	shalt  }

// kernel: kernel.14.cloned.1.call-start
scs
__scs_entry_jumppad:
0x0: {  	(pc) =	sbr.rel $0x88, $3  }
0x1: {  	(tag) =	ssettag $0x0;
	lr =	simm.s32 $0x1  }
0x2: {  	[smem:$0x3F96] =	sst lr;
	_ =	strace $0xD0000000  }
0x3: {  	_ = 	snop  }
0x4: {  	_ = 	snop  }
0x5: {  	_ = 	snop  }
0x6: {  	_ = 	snop  }
0x7: {  	_ = 	snop  }
__scs_overlays_trampoline_lowered:
0x8: {  	[smem:$0x3FA5] =	sst s0  }
0x9: {  	[smem:$0x3FA6] =	sst s1  }
0xa: {  	[smem:$0x3FA7] =	sst s2  }
0xb: {  	[smem:$0x3FA8] =	sst s3  }
0xc: {  	[smem:$0x3FA9] =	sst s4  }
0xd: {  	[smem:$0x3FAA] =	sst s5  }
0xe: {  	[smem:$0x3FAB] =	sst s6  }
0xf: {  	[smem:$0x3FAC] =	sst s7  }
0x10: {  	[smem:$0x3FAD] =	sst s8  }
0x11: {  	[smem:$0x3FAE] =	sst s9;
	s0 =	simm.s32 @!p0 $0x0  }
0x12: {  	s1 =	sld [smem:$0x3F94];
	s0 =	simm.s32 @p0 $0x1  }
0x13: {  	[smem:$0x3FAF] =	sst s0;
	s0 =	simm.s32 @!p1 $0x0  }
0x14: {  	s2 =	sld [smem:$0x3F93];
	s0 =	simm.s32 @p1 $0x1  }
0x15: {  	[smem:$0x3FB0] =	sst s0;
	s0 =	simm.s32 @!p2 $0x0  }
0x16: {  	s3 =	sld [smem:$0x3FDB];
	s0 =	simm.s32 @p2 $0x1  }
0x17: {  	s4 =	simm.s32 $0x1BF5;
	[smem:$0x3FB2] =	sst s0  }
0x18: {  	s0 =	sld [smem:$0x3F95];
	_ =	swait.ge [sflag:s4], $0x0  }
0x19: {  	s7 =	sld [smem:$0x3F96]  }
0x1a: {  	s8 =	sadd.s32 $0xFFFFE003, lr  }
0x1b: {  	s9 =	sadd.s32 $0xFFFFFEF7, lr;
	s5 =	simm.s32 $0xFFFFFFFF;
	p2 =	slt.u32 s8, $0xFFFFF086  }
0x1c: {  	p1 =	slt.u32 s9, $0xF7A;
	s5 =	simm.s32 @!p2 $0x0  }
0x1d: {  	s5 =	simm.s32 @p1 $0x1;
	p0 =	seq.s32 s7, s2  }
0x1e: {  	s7 =	smul.u32 @!p0 $0xF7A, s2;
	p2 =	seq.s32 @!p0 s5, $0x0  }
0x1f: {  	s9 =	smul.u32 $0xF7A, s1;
	s8 =	simm.s32 @!p0 $0x1BF5;
	p2 =	por !p2, p0  }
0x20: {  	[sflag:s8] =	ssyncset.s32 @!p0 $0xFFFFF086;
	s6 =	sadd.s32 @!p0 s3, s7;
	s7 =	simm.s32 @!p0 $0x108  }
0x21: {  	s3 =	sadd.s32 s3, s9;
	s6 =	sadd.s32 @!p0 $0x88, s6;
	s7 =	simm.s32 @p2 $0x1082  }
0x22: {  	[simem:s7], [sflag:s8] =	dma.local @!p0 [hbm:s6], $0xF7A  }
0x23: {  	s9 =	sor.u32 $0xD0000000, s2;
	s6 =	simm.s32 $0x108;
	_ =	swait.ge @!p0 [sflag:s8], $0x0  }
0x24: {  	s3 =	sadd.s32 $0x88, s3;
	s6 =	simm.s32 @!p1 $0x1082;
	[sflag:s4] =	ssyncset.s32 $0xFFFFF086  }
0x25: {  	[simem:s6], [sflag:s4] =	dma.local [hbm:s3], $0xF7A  }
0x26: {  	[smem:$0x3F96] =	sst s1;
	(tag) =	ssettag s2;
	_ =	strace s9  }
0x27: {  	s1 =	sld [smem:$0x3FA6]  }
0x28: {  	s2 =	sld [smem:$0x3FA7]  }
0x29: {  	s4 =	sld [smem:$0x3FA9]  }
0x2a: {  	p0 =	seq.s32 s5, $0x0;
	s5 =	sld [smem:$0x3FAA]  }
0x2b: {  	s6 =	sld [smem:$0x3FAB]  }
0x2c: {  	s7 =	sld [smem:$0x3FAC]  }
0x2d: {  	s3 =	simm.s32 $0x108;
	s8 =	sld [smem:$0x3FAD]  }
0x2e: {  	s3 =	simm.s32 @!p0 $0x1082;
	s9 =	sld [smem:$0x3FAE]  }
0x2f: {  	lr =	sadd.s32 s0, s3;
	s0 =	sld [smem:$0x3FA5]  }
0x30: {  	s3 =	sld [smem:$0x3FA8]  }
0x31: {  	[smem:$0x3FB1] =	sst s10  }
0x32: {  	s10 =	sld [smem:$0x3FAF];
	_ =	sdelay $0x3  }
0x33: {  	p0 =	seq.s32 s10, $0x1;
	s10 =	sld [smem:$0x3FB1];
	_ =	sdelay $0x3  }
0x34: {  	[smem:$0x3FB1] =	sst s10  }
0x35: {  	s10 =	sld [smem:$0x3FB0];
	_ =	sdelay $0x3  }
0x36: {  	p1 =	seq.s32 s10, $0x1;
	s10 =	sld [smem:$0x3FB1];
	_ =	sdelay $0x3  }
0x37: {  	[smem:$0x3FB1] =	sst s10  }
0x38: {  	s10 =	sld [smem:$0x3FB2]  }
0x39: {  	_ = 	snop;
	(pc) =	sbr.ind lr, $3  }
0x3a: {  	_ = 	snop  }
0x3b: {  	_ = 	snop  }
0x3c: {  	p2 =	seq.s32 s10, $0x1;
	s10 =	sld [smem:$0x3FB1]  }
0x3d: {  	_ =	shalt  }
0x3e: {  	_ =	shalt  }
0x3f: {  	_ =	shalt  }
0x40: {  	_ =	shalt  }
0x41: {  	_ =	shalt  }
0x42: {  	_ =	shalt  }
0x43: {  	_ =	shalt  }
0x44: {  	_ =	shalt  }
0x45: {  	_ =	shalt  }
0x46: {  	_ =	shalt  }
0x47: {  	_ =	shalt  }
0x48: {  	_ =	shalt  }
0x49: {  	_ =	shalt  }
0x4a: {  	_ =	shalt  }
0x4b: {  	_ =	shalt  }
0x4c: {  	_ =	shalt  }
0x4d: {  	_ =	shalt  }
0x4e: {  	_ =	shalt  }
0x4f: {  	_ =	shalt  }
0x50: {  	_ =	shalt  }
0x51: {  	_ =	shalt  }
0x52: {  	_ =	shalt  }
0x53: {  	_ =	shalt  }
0x54: {  	_ =	shalt  }
0x55: {  	_ =	shalt  }
0x56: {  	_ =	shalt  }
0x57: {  	_ =	shalt  }
0x58: {  	_ =	shalt  }
0x59: {  	_ =	shalt  }
0x5a: {  	_ =	shalt  }
0x5b: {  	_ =	shalt  }
0x5c: {  	_ =	shalt  }
0x5d: {  	_ =	shalt  }
0x5e: {  	_ =	shalt  }
0x5f: {  	_ =	shalt  }
0x60: {  	_ =	shalt  }
0x61: {  	_ =	shalt  }
0x62: {  	_ =	shalt  }
0x63: {  	_ =	shalt  }
0x64: {  	_ =	shalt  }
0x65: {  	_ =	shalt  }
0x66: {  	_ =	shalt  }
0x67: {  	_ =	shalt  }
0x68: {  	_ =	shalt  }
0x69: {  	_ =	shalt  }
0x6a: {  	_ =	shalt  }
0x6b: {  	_ =	shalt  }
0x6c: {  	_ =	shalt  }
0x6d: {  	_ =	shalt  }
0x6e: {  	_ =	shalt  }
0x6f: {  	_ =	shalt  }
0x70: {  	_ =	shalt  }
0x71: {  	_ =	shalt  }
0x72: {  	_ =	shalt  }
0x73: {  	_ =	shalt  }
0x74: {  	_ =	shalt  }
0x75: {  	_ =	shalt  }
0x76: {  	_ =	shalt  }
0x77: {  	_ =	shalt  }
0x78: {  	_ =	shalt  }
0x79: {  	_ =	shalt  }
0x7a: {  	_ =	shalt  }
0x7b: {  	_ =	shalt  }
0x7c: {  	_ =	shalt  }
0x7d: {  	_ =	shalt  }
0x7e: {  	_ =	shalt  }
0x7f: {  	_ =	shalt  }
0x80: {  	_ =	shalt  }
0x81: {  	_ =	shalt  }
0x82: {  	_ =	shalt  }
0x83: {  	_ =	shalt  }
0x84: {  	_ =	shalt  }
0x85: {  	_ =	shalt  }
0x86: {  	_ =	shalt  }
0x87: {  	_ =	shalt  }
.Lfunc_end0:
.L_simem_size_0:
called_computation.2_lowered:
.L_overlay_start_0:
0x88: {  	s2 =	sld [smem:$0x3FD9]  }
0x89: {  	s3 =	sld [smem:$0x3FFE];
	_ =	sdelay $0x1  }
0x8a: {  	s1 =	srdreg.scid  }
0x8b: {  	s0 =	sand.u32 $0x1, s1  }
0x8c: {  	s17 =	sshll.u32 s0, $0xA;
	s2 =	sadd.s32 s3, s2  }
0x8d: {  	s2 =	sadd.s32 s2, s17  }
0x8e: {  	[smem:$0x3FBD] =	sst s2  }
0x8f: {  	_ = 	snop  }
0x90: {  	s2 =	sld [smem:$0x3FD0];
	(tm) =	ssettm $0x1  }
0x91: {  	s18 =	sld [smem:$0x3FFB];
	_ =	sdelay $0x3  }
0x92: {  	_ =	strace s18  }
0x93: {  	s3 =	sld [smem:$0x3FFC];
	_ =	sdelay $0x3  }
0x94: {  	_ =	strace s3  }
0x95: {  	s3 =	sld [smem:$0x3FFD];
	_ =	sdelay $0x3  }
0x96: {  	_ =	strace s3  }
0x97: {  	_ =	strace $0x8FFFFFFF  }
0x98: {  	s19 =	sld [smem:$0x3FDB];
	_ =	sdelay $0x1  }
0x99: {  	s4 =	simm.s32 $_scs_section_size  }
0x9a: {  	s5 =	simm.s32 $_size__tile_overlayer_lowered;
	s6 =	simm.s32 $_tile_overlayer_lowered  }
0x9b: {  	s22 =	simm.s32 $0x1BFF;
	s21 =	sshll.u32 s6, $0x1;
	s3 =	sadd.s32 s4, s19  }
0x9c: {  	s7 =	simm.s32 $0x0;
	s20 =	sshll.u32 s5, $0x1;
	s5 =	sadd.s32 s21, s3  }
0x9d: {  	[timem:s7], [sflag:s22] =	dma.local [hbm:s5], s20  }
0x9e: {  	_ =	swait.ge [sflag:s22], s20  }
0x9f: {  	s4 =	ssub.s32 $0x0, s20;
	[sflag:s22] =	ssyncset.done $0x0  }
0xa0: {  	[sflag:s22] =	ssyncadd.s32 s4;
	_ =	sdelay $0x1  }
0xa1: {  	s23 =	simm.s32 $0x1B8B  }
0xa2: {  	_ =	swait.ge [sflag:s23], $0x1  }
0xa3: {  	[sflag:s23] =	ssyncset.done $0x0  }
0xa4: {  	s25 =	simm.s32 $0x1B8E;
	s24 =	sld [smem:$0x3FFE];
	[sflag:s23] =	ssyncadd.s32 $0xFFFFFFFF  }
0xa5: {  	s26 =	simm.s32 $execute0_lowered;
	[smem:$0x3FD2] =	sst s25  }
0xa6: {  	s5 =	sshll.u32 s26, $0x1;
	_ =	strace $0x8000004C;
	[dreg:$0x1] =	wrdreg $0xFFFFFFFF  }
0xa7: {  	s28 =	simm.s32 $_size_execute0_lowered;
	s3 =	sadd.s32 s3, s5;
	[dreg:$0x0] =	wrdreg $0x0  }
0xa8: {  	s5 =	sshll.u32 s28, $0x1;
	[dreg:$0x2] =	wrdreg s3  }
0xa9: {  	[dreg:$0x3] =	wrdreg s5  }
0xaa: {  	[dreg:$0x4] =	wrdreg $0xC0  }
0xab: {  	_ =	task [dreg:s7], $0x5FFFF  }
0xac: {  	[dreg:$0x1] =	wrdreg $0xFFFFFFFF  }
0xad: {  	[dreg:$0x0] =	wrdreg $0x60  }
0xae: {  	[dreg:$0x2] =	wrdreg s2  }
0xaf: {  	[dreg:$0x3] =	wrdreg s24  }
0xb0: {  	[dreg:$0x4] =	wrdreg $0x5A800  }
0xb1: {  	[dreg:$0x5] =	wrdreg $0x9  }
0xb2: {  	_ =	task.clear_ibuf [dreg:s7], $0x6FFFF;
	_ =	strace $0x9000004C  }
0xb3: {  	s29 =	simm.s32 $0x9;
	_ =	strace $0x8000004E  }
0xb4: {  	_ =	swait.ge [sflag:s29], $0x1  }
0xb5: {  	[sflag:s29] =	ssyncadd.s32 $0xFFFFFFFF  }
0xb6: {  	_ =	strace $0x9000004E  }
0xb7: {  	_ =	sfence  }
0xb8: {  	s30 =	sld [smem:$0x0];
	_ =	sdelay $0x2  }
0xb9: {  	s31 =	sshll.u32 s1, $0xD;
	s1 =	sshrl.u32 s1, $0x2  }
0xba: {  	s3 =	sand.u32 $0x4000, s31;
	s1 =	sadd.s32 s1, s30  }
0xbb: {  	s0 =	sor.u32 s3, s0;
	s1 =	sshll.u32 s1, $0x11  }
0xbc: {  	s0 =	sor.u32 s1, s0  }
0xbd: {  	s0 =	sadd.s32 $0x8F2B, s0  }
0xbe: {  	[sflag:s0] =	ssyncadd.remote.s32 $0x1  }
0xbf: {  	_ =	sfence.sel $0xFFFF  }
0xc0: {  	[dreg:$0x0] =	wrdreg $0xFFFFFFFF;
	(pc) =	sbr.abs _section_cstart, $3  }
0xc1: {  	[dreg:$0x1] =	wrdreg $0xFFFFFFFF  }
0xc2: {  	_ =	task.clear_ibuf [dreg:s7], $0x2FFFF;
	_ =	strace $0x9FFFFFFF  }
0xc3: {  	(tm) =	ssettm $0x7FFFFFFF  }
tec
execute0_lowered:
.L_overlay_start_1:
0x0: {  	(tag) =	ssettag $0x1  }
0x1: {  	s1 =	rddreg [dreg:$0x0]  }
0x2: {  	s0 =	rddreg [dreg:$0x1]  }
0x3: {  	s2 =	rddreg [dreg:$0x2]  }
0x4: {  	s4 =	simm.s32 $0x0;
	s3 =	srdreg.scid;
	s8 =	stileid.u32  }
0x5: {  	s28 =	simm.s32 $0xA00;
	s29 =	simm.s32 $0x7D;
	s30 =	simm.s32 $0x1400  }
0x6: {  	s31 =	simm.s32 $0x1;
	[smem:$0x7FF] =	sst s4;
	s3 =	sand.u32 $0x1, s3  }
0x7: {  	s5 =	smul.u32 $0x50000, s8;
	s18 =	sadd.s32 $0xCA00, s0;
	s19 =	sadd.s32 $0x2A00, s0  }
0x8: {  	s10 =	smul.u32 $0x14000, s8;
	s0 =	sadd.s32 $0x16A00, s0;
	s12 =	sshll.u32 s8, $0x1  }
0x9: {  	_ =	strace $0x8000004D;
	s6 =	ssub.s32 $0x2, s3;
	s9 =	smul.u32 $0x140000, s3  }
0xa: {  	s3 =	sor.u32 s3, s12;
	s7 =	sshrl.u32 s6, $0x1;
	s5 =	sshrl.u32 s5, $0x2  }
0xb: {  	s14 =	sadd.s32 $0x4000, s10;
	s12 =	sadd.s32 $0x8000, s10;
	s21 =	sadd.s32 s10, s2  }
0xc: {  	s20 =	sadd.s32 $0xC000, s10;
	s3 =	smul.u32 $0x500, s3;
	s11 =	ssub.s32 s6, s7  }
0xd: {  	s13 =	sadd.s32 s10, s9;
	s5 =	sadd.s32 s5, s2;
	s15 =	sadd.s32 s9, s14  }
0xe: {  	s22 =	sadd.s32 s14, s2;
	s14 =	sadd.s32 $0x10000, s10;
	s23 =	sadd.s32 s12, s2  }
0xf: {  	s24 =	sadd.s32 s9, s20;
	s21 =	sshrl.u32 s21, $0x3;
	s6 =	sshrl.u32 s13, $0x3  }
0x10: {  	s7 =	sshrl.u32 s15, $0x3;
	s13 =	sadd.s32 s9, s12;
	s9 =	sadd.s32 s9, s14  }
0x11: {  	s10 =	sshrl.u32 s24, $0x3;
	s24 =	sadd.s32 s20, s2;
	s26 =	sadd.s32 s14, s2  }
0x12: {  	s11 =	smax.u32 s11, $0x1;
	s15 =	sadd.s32 $0x140, s3;
	s12 =	sadd.s32 s18, s3  }
0x13: {  	s20 =	simm.s32 $0x5280;
	s22 =	sshrl.u32 s22, $0x3;
	s23 =	sshrl.u32 s23, $0x3  }
0x14: {  	s6 =	sadd.s32 s0, s6;
	s16 =	sadd.s32 s0, s7;
	s17 =	sshrl.u32 s13, $0x3  }
0x15: {  	s25 =	sshrl.u32 s9, $0x3;
	s9 =	sadd.s32 s0, s10;
	s13 =	sadd.s32 s19, s3  }
0x16: {  	s14 =	sadd.s32 s18, s15;
	s15 =	sadd.s32 s19, s15;
	[dreg:$0x4] =	wrdreg s6  }
0x17: {  	s24 =	sshrl.u32 s24, $0x3;
	[dreg:$0x5] =	wrdreg s16;
	s8 =	sadd.s32 s0, s17  }
0x18: {  	s10 =	sadd.s32 s0, s25;
	s17 =	sadd.s32 $0x280, s3;
	s3 =	sadd.s32 $0x3C0, s3  }
0x19: {  	s25 =	sshrl.u32 s26, $0x3;
	s26 =	simm.s32 $0x2;
	s16 =	sadd.s32 s18, s17  }
0x1a: {  	v0 =	vimm.f32 $0.0e+00;
	s17 =	sadd.s32 s19, s17;
	s18 =	sadd.s32 s18, s3;
	s19 =	sadd.s32 s19, s3  }
.LBB2_1:
0x1b: {  	s0 =	simm.s32 $0x0;
	s3 =	simm.s32 $0x200  }
.LBB2_2:
0x1c: {  	p0 =	sne.s32 s3, $0x1E00;
	[tilespmem:s0+$0x52F0] =	vst v0  }
0x1d: {  	[tilespmem:s0+$0x5280] =	vst v0  }
0x1e: {  	[tilespmem:s0+$0x5290] =	vst v0  }
.Ltmp0:
0x1f: {  	[tilespmem:s0+$0x52A0] =	vst v0;
	(pc) =	sbr.rel @p0 .LBB2_2-.Ltmp0, $4  }
0x20: {  	[tilespmem:s0+$0x52B0] =	vst v0  }
0x21: {  	[tilespmem:s0+$0x52C0] =	vst v0  }
0x22: {  	[tilespmem:s0+$0x52D0] =	vst v0  }
0x23: {  	[tilespmem:s0+$0x52E0] =	vst v0;
	s0 =	sshra.s32 s3, $0x2;
	s3 =	sadd.s32 $0x200, s3  }
0x24: {  	[tilespmem:s0+$0x52F0] =	vst v0  }
0x25: {  	[tilespmem:s0+$0x5280] =	vst v0  }
0x26: {  	[tilespmem:s0+$0x5290] =	vst v0  }
0x27: {  	[tilespmem:s0+$0x52A0] =	vst v0  }
0x28: {  	[tilespmem:s0+$0x52B0] =	vst v0  }
0x29: {  	[tilespmem:s0+$0x52C0] =	vst v0  }
0x2a: {  	[tilespmem:s0+$0x52D0] =	vst v0  }
0x2b: {  	[tilespmem:s0+$0x52E0] =	vst v0;
	s7 =	sadd.s32 $0x0, s5  }
0x2c: {  	[spmem:s7] =	stream.linear.scatter [tilespmem:s20], [sflag:$0x2], $0x800, $0x38;
	[tilespmem:$0x19A80] =	vst v63  }
0x2d: {  	s0 =	simm.s32 $0x2000;
	_ =	swait.ge [sflag:s26], $0x800  }
.LBB2_4:
0x2e: {  	s3 =	sshra.s32 s0, $0x2;
	[sflag:s26] =	ssyncset.done $0x0;
	p0 =	sne.s32 s0, $0x4E000  }
.Ltmp1:
0x2f: {  	s3 =	sadd.s32 s3, s5;
	[sflag:s26] =	ssyncadd.s32 $0xFFFFF800;
	(pc) =	sbr.rel @p0 .LBB2_4-.Ltmp1, $3  }
0x30: {  	[spmem:s3] =	stream.linear.scatter [tilespmem:s20], [sflag:$0x2], $0x800, $0x38;
	[tilespmem:$0x19A80] =	vst v63  }
0x31: {  	s0 =	sadd.s32 $0x2000, s0;
	_ =	sdelay $0x1  }
0x32: {  	_ =	swait.ge [sflag:s26], $0x800  }
0x33: {  	[sflag:s26] =	ssyncset.done $0x0  }
0x34: {  	[sflag:s26] =	ssyncadd.s32 $0xFFFFF800  }
0x35: {  	s0 =	simm.s32 $0x0;
	[bflag:$0x0] =	sbarrier.arrive $0xFFFF  }
0x36: {  	[tilespmem:s0], [sflag:$0x2] =	stream.linear.gather [hbm4b:s12+s0], $0xA00, $0x38;
	[tilespmem:$0x19A80] =	vst v63  }
0x37: {  	_ =	swait.ge [sflag:s26], $0xA00  }
0x38: {  	[sflag:s26] =	ssyncset.done $0x0  }
0x39: {  	[sflag:s26] =	ssyncadd.s32 $0xFFFFF600  }
0x3a: {  	[tilespmem:s28], [sflag:$0x2] =	stream.linear.gather [hbm4b:s13+s0], $0xA00, $0x38;
	[tilespmem:$0x19A80] =	vst v63  }
0x3b: {  	_ =	swait.ge [sflag:s26], $0xA00  }
0x3c: {  	[sflag:s26] =	ssyncset.done $0x0  }
0x3d: {  	s6 =	simm.s32 $0x0;
	[sflag:s26] =	ssyncadd.s32 $0xFFFFF600  }
0x3e: {  	[tilespmem:s30], [sflag:$0x1] =	stream.indirect.gather [hbm4b:s1+s29], $0x80, s6, s29, $0xb8;
	[tilespmem:$0x19A80] =	vst v63  }
0x3f: {  	_ =	swait.ge [sflag:s31], $0x3E80  }
0x40: {  	[sflag:s31] =	ssyncset.done $0x0  }
0x41: {  	s7 =	simm.s32 $0xA00;
	[sflag:s31] =	ssyncadd.s32 $0xFFFFC180  }
0x42: {  	[spmem:s2] =	stream.indirect.scatter.add.f32 [tilespmem:s30], [sflag:$0x2], $0x80, s7, s29, $0xb8;
	[tilespmem:$0x19A80] =	vst v63  }
0x43: {  	_ =	swait.ge [sflag:s26], $0x3E80  }
0x44: {  	s3 =	simm.s32 $0x400;
	s0 =	simm.s32 $0x200;
	[sflag:s26] =	ssyncset.done $0x0  }
.LBB2_6:
0x45: {  	s6 =	sshra.s32 s0, $0x2  }
0x46: {  	[sflag:s26] =	ssyncadd.s32 $0xFFFFC180;
	s0 =	smov.u32 s3;
	s7 =	sadd.s32 $0x200, s3  }
0x47: {  	[tilespmem:s30], [sflag:$0x1] =	stream.indirect.gather [hbm4b:s1+s29], $0x80, s6, s29, $0xb8;
	[tilespmem:$0x19A80] =	vst v63  }
0x48: {  	p0 =	sne.s32 s3, $0x2600;
	_ =	swait.ge [sflag:s31], $0x3E80  }
.Ltmp2:
0x49: {  	[sflag:s31] =	ssyncset.done $0x0;
	(pc) =	sbr.rel @p0 .LBB2_6-.Ltmp2, $4  }
0x4a: {  	s3 =	sadd.s32 $0xA00, s6;
	[sflag:s31] =	ssyncadd.s32 $0xFFFFC180  }
0x4b: {  	[spmem:s2] =	stream.indirect.scatter.add.f32 [tilespmem:s30], [sflag:$0x2], $0x80, s3, s29, $0xb8;
	[tilespmem:$0x19A80] =	vst v63  }
0x4c: {  	_ =	swait.ge [sflag:s26], $0x3E80  }
0x4d: {  	s3 =	smov.u32 s7;
	[sflag:s26] =	ssyncset.done $0x0  }
0x4e: {  	s0 =	sshra.s32 s0, $0x2;
	[sflag:s26] =	ssyncadd.s32 $0xFFFFC180  }
0x4f: {  	[tilespmem:s30], [sflag:$0x1] =	stream.indirect.gather [hbm4b:s1+s29], $0x80, s0, s29, $0xb8;
	[tilespmem:$0x19A80] =	vst v63  }
0x50: {  	_ =	swait.ge [sflag:s31], $0x3E80  }
0x51: {  	[sflag:s31] =	ssyncset.done $0x0  }
0x52: {  	s0 =	sadd.s32 $0xA00, s0;
	[sflag:s31] =	ssyncadd.s32 $0xFFFFC180  }
0x53: {  	[spmem:s2] =	stream.indirect.scatter.add.f32 [tilespmem:s30], [sflag:$0x2], $0x80, s0, s29, $0xb8;
	[tilespmem:$0x19A80] =	vst v63  }
0x54: {  	_ =	swait.ge [sflag:s26], $0x3E80  }
0x55: {  	[sflag:s26] =	ssyncset.done $0x0  }
0x56: {  	s3 =	simm.s32 $0x0;
	[sflag:s26] =	ssyncadd.s32 $0xFFFFC180  }
0x57: {  	[tilespmem:s3], [sflag:$0x2] =	stream.linear.gather [hbm4b:s14+s3], $0xA00, $0x38;
	[tilespmem:$0x19A80] =	vst v63  }
0x58: {  	_ =	swait.ge [sflag:s26], $0xA00  }
0x59: {  	[sflag:s26] =	ssyncset.done $0x0  }
0x5a: {  	[sflag:s26] =	ssyncadd.s32 $0xFFFFF600  }
0x5b: {  	[tilespmem:s28], [sflag:$0x2] =	stream.linear.gather [hbm4b:s15+s3], $0xA00, $0x38;
	[tilespmem:$0x19A80] =	vst v63  }
0x5c: {  	_ =	swait.ge [sflag:s26], $0xA00  }
0x5d: {  	[sflag:s26] =	ssyncset.done $0x0  }
0x5e: {  	s6 =	simm.s32 $0x0;
	[sflag:s26] =	ssyncadd.s32 $0xFFFFF600  }
0x5f: {  	[tilespmem:s30], [sflag:$0x1] =	stream.indirect.gather [hbm4b:s1+s29], $0x80, s6, s29, $0xb8;
	[tilespmem:$0x19A80] =	vst v63  }
0x60: {  	_ =	swait.ge [sflag:s31], $0x3E80  }
0x61: {  	[sflag:s31] =	ssyncset.done $0x0  }
0x62: {  	s7 =	simm.s32 $0xA00;
	[sflag:s31] =	ssyncadd.s32 $0xFFFFC180  }
0x63: {  	[spmem:s2] =	stream.indirect.scatter.add.f32 [tilespmem:s30], [sflag:$0x2], $0x80, s7, s29, $0xb8;
	[tilespmem:$0x19A80] =	vst v63  }
0x64: {  	_ =	swait.ge [sflag:s26], $0x3E80  }
0x65: {  	s0 =	simm.s32 $0x200;
	s3 =	simm.s32 $0x400;
	[sflag:s26] =	ssyncset.done $0x0  }
.LBB2_8:
0x66: {  	s6 =	sshra.s32 s0, $0x2  }
0x67: {  	[sflag:s26] =	ssyncadd.s32 $0xFFFFC180;
	s0 =	smov.u32 s3;
	s7 =	sadd.s32 $0x200, s3  }
0x68: {  	[tilespmem:s30], [sflag:$0x1] =	stream.indirect.gather [hbm4b:s1+s29], $0x80, s6, s29, $0xb8;
	[tilespmem:$0x19A80] =	vst v63  }
0x69: {  	p0 =	sne.s32 s3, $0x2600;
	_ =	swait.ge [sflag:s31], $0x3E80  }
.Ltmp3:
0x6a: {  	[sflag:s31] =	ssyncset.done $0x0;
	(pc) =	sbr.rel @p0 .LBB2_8-.Ltmp3, $4  }
0x6b: {  	s3 =	sadd.s32 $0xA00, s6;
	[sflag:s31] =	ssyncadd.s32 $0xFFFFC180  }
0x6c: {  	[spmem:s2] =	stream.indirect.scatter.add.f32 [tilespmem:s30], [sflag:$0x2], $0x80, s3, s29, $0xb8;
	[tilespmem:$0x19A80] =	vst v63  }
0x6d: {  	_ =	swait.ge [sflag:s26], $0x3E80  }
0x6e: {  	s3 =	smov.u32 s7;
	[sflag:s26] =	ssyncset.done $0x0  }
0x6f: {  	s0 =	sshra.s32 s0, $0x2;
	[sflag:s26] =	ssyncadd.s32 $0xFFFFC180  }
0x70: {  	[tilespmem:s30], [sflag:$0x1] =	stream.indirect.gather [hbm4b:s1+s29], $0x80, s0, s29, $0xb8;
	[tilespmem:$0x19A80] =	vst v63  }
0x71: {  	_ =	swait.ge [sflag:s31], $0x3E80  }
0x72: {  	[sflag:s31] =	ssyncset.done $0x0  }
0x73: {  	s0 =	sadd.s32 $0xA00, s0;
	[sflag:s31] =	ssyncadd.s32 $0xFFFFC180  }
0x74: {  	[spmem:s2] =	stream.indirect.scatter.add.f32 [tilespmem:s30], [sflag:$0x2], $0x80, s0, s29, $0xb8;
	[tilespmem:$0x19A80] =	vst v63  }
0x75: {  	_ =	swait.ge [sflag:s26], $0x3E80  }
0x76: {  	[sflag:s26] =	ssyncset.done $0x0  }
0x77: {  	s3 =	simm.s32 $0x0;
	[sflag:s26] =	ssyncadd.s32 $0xFFFFC180  }
0x78: {  	[tilespmem:s3], [sflag:$0x2] =	stream.linear.gather [hbm4b:s16+s3], $0xA00, $0x38;
	[tilespmem:$0x19A80] =	vst v63  }
0x79: {  	_ =	swait.ge [sflag:s26], $0xA00  }
0x7a: {  	[sflag:s26] =	ssyncset.done $0x0  }
0x7b: {  	[sflag:s26] =	ssyncadd.s32 $0xFFFFF600  }
0x7c: {  	[tilespmem:s28], [sflag:$0x2] =	stream.linear.gather [hbm4b:s17+s3], $0xA00, $0x38;
	[tilespmem:$0x19A80] =	vst v63  }
0x7d: {  	_ =	swait.ge [sflag:s26], $0xA00  }
0x7e: {  	[sflag:s26] =	ssyncset.done $0x0  }
0x7f: {  	s6 =	simm.s32 $0x0;
	[sflag:s26] =	ssyncadd.s32 $0xFFFFF600  }
0x80: {  	[tilespmem:s30], [sflag:$0x1] =	stream.indirect.gather [hbm4b:s1+s29], $0x80, s6, s29, $0xb8;
	[tilespmem:$0x19A80] =	vst v63  }
0x81: {  	_ =	swait.ge [sflag:s31], $0x3E80  }
0x82: {  	[sflag:s31] =	ssyncset.done $0x0  }
0x83: {  	s7 =	simm.s32 $0xA00;
	[sflag:s31] =	ssyncadd.s32 $0xFFFFC180  }
0x84: {  	[spmem:s2] =	stream.indirect.scatter.add.f32 [tilespmem:s30], [sflag:$0x2], $0x80, s7, s29, $0xb8;
	[tilespmem:$0x19A80] =	vst v63  }
0x85: {  	_ =	swait.ge [sflag:s26], $0x3E80  }
0x86: {  	s0 =	simm.s32 $0x200;
	s3 =	simm.s32 $0x400;
	[sflag:s26] =	ssyncset.done $0x0  }
.LBB2_10:
0x87: {  	s6 =	sshra.s32 s0, $0x2  }
0x88: {  	[sflag:s26] =	ssyncadd.s32 $0xFFFFC180;
	s0 =	smov.u32 s3;
	s7 =	sadd.s32 $0x200, s3  }
0x89: {  	[tilespmem:s30], [sflag:$0x1] =	stream.indirect.gather [hbm4b:s1+s29], $0x80, s6, s29, $0xb8;
	[tilespmem:$0x19A80] =	vst v63  }
0x8a: {  	p0 =	sne.s32 s3, $0x2600;
	_ =	swait.ge [sflag:s31], $0x3E80  }
.Ltmp4:
0x8b: {  	[sflag:s31] =	ssyncset.done $0x0;
	(pc) =	sbr.rel @p0 .LBB2_10-.Ltmp4, $4  }
0x8c: {  	s3 =	sadd.s32 $0xA00, s6;
	[sflag:s31] =	ssyncadd.s32 $0xFFFFC180  }
0x8d: {  	[spmem:s2] =	stream.indirect.scatter.add.f32 [tilespmem:s30], [sflag:$0x2], $0x80, s3, s29, $0xb8;
	[tilespmem:$0x19A80] =	vst v63  }
0x8e: {  	_ =	swait.ge [sflag:s26], $0x3E80  }
0x8f: {  	s3 =	smov.u32 s7;
	[sflag:s26] =	ssyncset.done $0x0  }
0x90: {  	s0 =	sshra.s32 s0, $0x2;
	[sflag:s26] =	ssyncadd.s32 $0xFFFFC180  }
0x91: {  	[tilespmem:s30], [sflag:$0x1] =	stream.indirect.gather [hbm4b:s1+s29], $0x80, s0, s29, $0xb8;
	[tilespmem:$0x19A80] =	vst v63  }
0x92: {  	_ =	swait.ge [sflag:s31], $0x3E80  }
0x93: {  	[sflag:s31] =	ssyncset.done $0x0  }
0x94: {  	s0 =	sadd.s32 $0xA00, s0;
	[sflag:s31] =	ssyncadd.s32 $0xFFFFC180  }
0x95: {  	[spmem:s2] =	stream.indirect.scatter.add.f32 [tilespmem:s30], [sflag:$0x2], $0x80, s0, s29, $0xb8;
	[tilespmem:$0x19A80] =	vst v63  }
0x96: {  	_ =	swait.ge [sflag:s26], $0x3E80  }
0x97: {  	[sflag:s26] =	ssyncset.done $0x0  }
0x98: {  	s3 =	simm.s32 $0x0;
	[sflag:s26] =	ssyncadd.s32 $0xFFFFC180  }
0x99: {  	[tilespmem:s3], [sflag:$0x2] =	stream.linear.gather [hbm4b:s18+s3], $0xA00, $0x38;
	[tilespmem:$0x19A80] =	vst v63  }
0x9a: {  	_ =	swait.ge [sflag:s26], $0xA00  }
0x9b: {  	[sflag:s26] =	ssyncset.done $0x0  }
0x9c: {  	[sflag:s26] =	ssyncadd.s32 $0xFFFFF600  }
0x9d: {  	[tilespmem:s28], [sflag:$0x2] =	stream.linear.gather [hbm4b:s19+s3], $0xA00, $0x38;
	[tilespmem:$0x19A80] =	vst v63  }
0x9e: {  	_ =	swait.ge [sflag:s26], $0xA00  }
0x9f: {  	[sflag:s26] =	ssyncset.done $0x0  }
0xa0: {  	s6 =	simm.s32 $0x0;
	[sflag:s26] =	ssyncadd.s32 $0xFFFFF600  }
0xa1: {  	[tilespmem:s30], [sflag:$0x1] =	stream.indirect.gather [hbm4b:s1+s29], $0x80, s6, s29, $0xb8;
	[tilespmem:$0x19A80] =	vst v63  }
0xa2: {  	_ =	swait.ge [sflag:s31], $0x3E80  }
0xa3: {  	[sflag:s31] =	ssyncset.done $0x0  }
0xa4: {  	s7 =	simm.s32 $0xA00;
	[sflag:s31] =	ssyncadd.s32 $0xFFFFC180  }
0xa5: {  	[spmem:s2] =	stream.indirect.scatter.add.f32 [tilespmem:s30], [sflag:$0x2], $0x80, s7, s29, $0xb8;
	[tilespmem:$0x19A80] =	vst v63  }
0xa6: {  	_ =	swait.ge [sflag:s26], $0x3E80  }
0xa7: {  	s0 =	simm.s32 $0x200;
	s3 =	simm.s32 $0x400;
	[sflag:s26] =	ssyncset.done $0x0  }
.LBB2_12:
0xa8: {  	s6 =	sshra.s32 s0, $0x2  }
0xa9: {  	[sflag:s26] =	ssyncadd.s32 $0xFFFFC180;
	s0 =	smov.u32 s3;
	s7 =	sadd.s32 $0x200, s3  }
0xaa: {  	[tilespmem:s30], [sflag:$0x1] =	stream.indirect.gather [hbm4b:s1+s29], $0x80, s6, s29, $0xb8;
	[tilespmem:$0x19A80] =	vst v63  }
0xab: {  	p0 =	sne.s32 s3, $0x2600;
	_ =	swait.ge [sflag:s31], $0x3E80  }
.Ltmp5:
0xac: {  	[sflag:s31] =	ssyncset.done $0x0;
	(pc) =	sbr.rel @p0 .LBB2_12-.Ltmp5, $4  }
0xad: {  	s3 =	sadd.s32 $0xA00, s6;
	[sflag:s31] =	ssyncadd.s32 $0xFFFFC180  }
0xae: {  	[spmem:s2] =	stream.indirect.scatter.add.f32 [tilespmem:s30], [sflag:$0x2], $0x80, s3, s29, $0xb8;
	[tilespmem:$0x19A80] =	vst v63  }
0xaf: {  	_ =	swait.ge [sflag:s26], $0x3E80  }
0xb0: {  	s3 =	smov.u32 s7;
	[sflag:s26] =	ssyncset.done $0x0  }
0xb1: {  	s0 =	sshra.s32 s0, $0x2;
	[sflag:s26] =	ssyncadd.s32 $0xFFFFC180  }
0xb2: {  	[tilespmem:s30], [sflag:$0x1] =	stream.indirect.gather [hbm4b:s1+s29], $0x80, s0, s29, $0xb8;
	[tilespmem:$0x19A80] =	vst v63  }
0xb3: {  	_ =	swait.ge [sflag:s31], $0x3E80  }
0xb4: {  	[sflag:s31] =	ssyncset.done $0x0  }
0xb5: {  	s0 =	sadd.s32 $0xA00, s0;
	[sflag:s31] =	ssyncadd.s32 $0xFFFFC180  }
0xb6: {  	[spmem:s2] =	stream.indirect.scatter.add.f32 [tilespmem:s30], [sflag:$0x2], $0x80, s0, s29, $0xb8;
	[tilespmem:$0x19A80] =	vst v63  }
0xb7: {  	_ =	swait.ge [sflag:s26], $0x3E80  }
0xb8: {  	[sflag:s26] =	ssyncset.done $0x0  }
0xb9: {  	s6 =	stileid.u32;
	[sflag:s26] =	ssyncadd.s32 $0xFFFFC180  }
0xba: {  	s0 =	sshll.u32 s6, $0x6;
	[bflag:$0x0] =	sbarrier.arrive $0xFFFF  }
0xbb: {  	s0 =	sor.u32 $0x1C02, s0;
	s3 =	rddreg [dreg:$0x4]  }
0xbc: {  	[hbm:s3], [sflag:s0] =	dma.local [spmem:s21], $0x800  }
0xbd: {  	_ =	swait.ge [sflag:s26], $0x800  }
0xbe: {  	[sflag:s26] =	ssyncset.done $0x0  }
0xbf: {  	s7 =	rddreg [dreg:$0x5];
	[sflag:s26] =	ssyncadd.s32 $0xFFFFF800  }
0xc0: {  	[hbm:s7], [sflag:s0] =	dma.local [spmem:s22], $0x800  }
0xc1: {  	_ =	swait.ge [sflag:s26], $0x800  }
0xc2: {  	[sflag:s26] =	ssyncset.done $0x0  }
0xc3: {  	[sflag:s26] =	ssyncadd.s32 $0xFFFFF800  }
0xc4: {  	[hbm:s8], [sflag:s0] =	dma.local [spmem:s23], $0x800  }
0xc5: {  	_ =	swait.ge [sflag:s26], $0x800  }
0xc6: {  	[sflag:s26] =	ssyncset.done $0x0  }
0xc7: {  	[sflag:s26] =	ssyncadd.s32 $0xFFFFF800  }
0xc8: {  	[hbm:s9], [sflag:s0] =	dma.local [spmem:s24], $0x800  }
0xc9: {  	s4 =	sadd.s32 $0x1, s4;
	_ =	swait.ge [sflag:s26], $0x800  }
0xca: {  	p0 =	sne.s32 s4, s11;
	[sflag:s26] =	ssyncset.done $0x0  }
.Ltmp6:
0xcb: {  	[sflag:s26] =	ssyncadd.s32 $0xFFFFF800;
	(pc) =	sbr.rel @p0 .LBB2_1-.Ltmp6, $4  }
0xcc: {  	[hbm:s10], [sflag:s0] =	dma.local [spmem:s25], $0x800  }
0xcd: {  	_ =	swait.ge [sflag:s26], $0x800  }
0xce: {  	[sflag:s26] =	ssyncset.done $0x0  }
0xcf: {  	[sflag:s26] =	ssyncadd.s32 $0xFFFFF800  }
0xd0: {  	_ =	sfence.sel $0x180000  }
0xd1: {  	[bflag:$0x0] =	sbarrier.arrive $0xFFFF  }
0xd2: {  	_ =	strace $0x9000004D  }
0xd3: {  	s0 =	stileid.u32;
	[bflag:$0x2] =	sbarrier.arrive $0xFFFF  }
0xd4: {  	p0 =	sne.s32 s0, $0x0;
	s0 =	rddreg [dreg:$0x3]  }
0xd5: {  	s0 =	sadd.s32 @!p0 $0x100000, s0  }
0xd6: {  	[sflag:s0] =	ssyncadd.tile.s32 @!p0 $0x1;
	_ =	shalt  }
.Lfunc_end2:
_tile_overlayer_lowered:
.L_overlay_start_2:
0xd7: {  	(tag) =	ssettag $0x2  }
0xd8: {  	s0 =	rddreg [dreg:$0x0];
	s2 =	stileid.u32  }
0xd9: {  	s1 =	rddreg [dreg:$0x1];
	p0 =	sne.s32 s2, $0x0  }
0xda: {  	s3 =	rddreg [dreg:$0x2];
	[bflag:$0x3] =	sbarrier.arrive $0xFFFF;
	s2 =	simm.s32 @!p0 $0x1C02  }
0xdb: {  	[timem:s3], [sflag:s2] =	dma.local @!p0 [hbm:s0], s1  }
0xdc: {  	s0 =	simm.s32 @!p0 $0x2  }
0xdd: {  	_ =	swait.ge @!p0 [sflag:s0], s1  }
0xde: {  	s1 =	ssub.s32 @!p0 $0x0, s1;
	[sflag:s0] =	ssyncset.done @!p0 $0x0  }
0xdf: {  	[sflag:s0] =	ssyncadd.s32 @!p0 s1  }
0xe0: {  	[bflag:$0x3] =	sbarrier.arrive $0xFFFF  }
0xe1: {  	_ =	shalt  }

// kernel: kernel.8.cloned.1.call-start
scs
__scs_entry_jumppad:
0x0: {  	(pc) =	sbr.rel $0x88, $3  }
0x1: {  	(tag) =	ssettag $0x0;
	lr =	simm.s32 $0x1  }
0x2: {  	[smem:$0x3F96] =	sst lr;
	_ =	strace $0xD0000000  }
0x3: {  	_ = 	snop  }
0x4: {  	_ = 	snop  }
0x5: {  	_ = 	snop  }
0x6: {  	_ = 	snop  }
0x7: {  	_ = 	snop  }
__scs_overlays_trampoline_lowered:
0x8: {  	[smem:$0x3FA5] =	sst s0  }
0x9: {  	[smem:$0x3FA6] =	sst s1  }
0xa: {  	[smem:$0x3FA7] =	sst s2  }
0xb: {  	[smem:$0x3FA8] =	sst s3  }
0xc: {  	[smem:$0x3FA9] =	sst s4  }
0xd: {  	[smem:$0x3FAA] =	sst s5  }
0xe: {  	[smem:$0x3FAB] =	sst s6  }
0xf: {  	[smem:$0x3FAC] =	sst s7  }
0x10: {  	[smem:$0x3FAD] =	sst s8  }
0x11: {  	[smem:$0x3FAE] =	sst s9;
	s0 =	simm.s32 @!p0 $0x0  }
0x12: {  	s1 =	sld [smem:$0x3F94];
	s0 =	simm.s32 @p0 $0x1  }
0x13: {  	[smem:$0x3FAF] =	sst s0;
	s0 =	simm.s32 @!p1 $0x0  }
0x14: {  	s2 =	sld [smem:$0x3F93];
	s0 =	simm.s32 @p1 $0x1  }
0x15: {  	[smem:$0x3FB0] =	sst s0;
	s0 =	simm.s32 @!p2 $0x0  }
0x16: {  	s3 =	sld [smem:$0x3FDB];
	s0 =	simm.s32 @p2 $0x1  }
0x17: {  	s4 =	simm.s32 $0x1BF5;
	[smem:$0x3FB2] =	sst s0  }
0x18: {  	s0 =	sld [smem:$0x3F95];
	_ =	swait.ge [sflag:s4], $0x0  }
0x19: {  	s7 =	sld [smem:$0x3F96]  }
0x1a: {  	s8 =	sadd.s32 $0xFFFFE003, lr  }
0x1b: {  	s9 =	sadd.s32 $0xFFFFFEF7, lr;
	s5 =	simm.s32 $0xFFFFFFFF;
	p2 =	slt.u32 s8, $0xFFFFF086  }
0x1c: {  	p1 =	slt.u32 s9, $0xF7A;
	s5 =	simm.s32 @!p2 $0x0  }
0x1d: {  	s5 =	simm.s32 @p1 $0x1;
	p0 =	seq.s32 s7, s2  }
0x1e: {  	s7 =	smul.u32 @!p0 $0xF7A, s2;
	p2 =	seq.s32 @!p0 s5, $0x0  }
0x1f: {  	s9 =	smul.u32 $0xF7A, s1;
	s8 =	simm.s32 @!p0 $0x1BF5;
	p2 =	por !p2, p0  }
0x20: {  	[sflag:s8] =	ssyncset.s32 @!p0 $0xFFFFF086;
	s6 =	sadd.s32 @!p0 s3, s7;
	s7 =	simm.s32 @!p0 $0x108  }
0x21: {  	s3 =	sadd.s32 s3, s9;
	s6 =	sadd.s32 @!p0 $0x88, s6;
	s7 =	simm.s32 @p2 $0x1082  }
0x22: {  	[simem:s7], [sflag:s8] =	dma.local @!p0 [hbm:s6], $0xF7A  }
0x23: {  	s9 =	sor.u32 $0xD0000000, s2;
	s6 =	simm.s32 $0x108;
	_ =	swait.ge @!p0 [sflag:s8], $0x0  }
0x24: {  	s3 =	sadd.s32 $0x88, s3;
	s6 =	simm.s32 @!p1 $0x1082;
	[sflag:s4] =	ssyncset.s32 $0xFFFFF086  }
0x25: {  	[simem:s6], [sflag:s4] =	dma.local [hbm:s3], $0xF7A  }
0x26: {  	[smem:$0x3F96] =	sst s1;
	(tag) =	ssettag s2;
	_ =	strace s9  }
0x27: {  	s1 =	sld [smem:$0x3FA6]  }
0x28: {  	s2 =	sld [smem:$0x3FA7]  }
0x29: {  	s4 =	sld [smem:$0x3FA9]  }
0x2a: {  	p0 =	seq.s32 s5, $0x0;
	s5 =	sld [smem:$0x3FAA]  }
0x2b: {  	s6 =	sld [smem:$0x3FAB]  }
0x2c: {  	s7 =	sld [smem:$0x3FAC]  }
0x2d: {  	s3 =	simm.s32 $0x108;
	s8 =	sld [smem:$0x3FAD]  }
0x2e: {  	s3 =	simm.s32 @!p0 $0x1082;
	s9 =	sld [smem:$0x3FAE]  }
0x2f: {  	lr =	sadd.s32 s0, s3;
	s0 =	sld [smem:$0x3FA5]  }
0x30: {  	s3 =	sld [smem:$0x3FA8]  }
0x31: {  	[smem:$0x3FB1] =	sst s10  }
0x32: {  	s10 =	sld [smem:$0x3FAF];
	_ =	sdelay $0x3  }
0x33: {  	p0 =	seq.s32 s10, $0x1;
	s10 =	sld [smem:$0x3FB1];
	_ =	sdelay $0x3  }
0x34: {  	[smem:$0x3FB1] =	sst s10  }
0x35: {  	s10 =	sld [smem:$0x3FB0];
	_ =	sdelay $0x3  }
0x36: {  	p1 =	seq.s32 s10, $0x1;
	s10 =	sld [smem:$0x3FB1];
	_ =	sdelay $0x3  }
0x37: {  	[smem:$0x3FB1] =	sst s10  }
0x38: {  	s10 =	sld [smem:$0x3FB2]  }
0x39: {  	_ = 	snop;
	(pc) =	sbr.ind lr, $3  }
0x3a: {  	_ = 	snop  }
0x3b: {  	_ = 	snop  }
0x3c: {  	p2 =	seq.s32 s10, $0x1;
	s10 =	sld [smem:$0x3FB1]  }
0x3d: {  	_ =	shalt  }
0x3e: {  	_ =	shalt  }
0x3f: {  	_ =	shalt  }
0x40: {  	_ =	shalt  }
0x41: {  	_ =	shalt  }
0x42: {  	_ =	shalt  }
0x43: {  	_ =	shalt  }
0x44: {  	_ =	shalt  }
0x45: {  	_ =	shalt  }
0x46: {  	_ =	shalt  }
0x47: {  	_ =	shalt  }
0x48: {  	_ =	shalt  }
0x49: {  	_ =	shalt  }
0x4a: {  	_ =	shalt  }
0x4b: {  	_ =	shalt  }
0x4c: {  	_ =	shalt  }
0x4d: {  	_ =	shalt  }
0x4e: {  	_ =	shalt  }
0x4f: {  	_ =	shalt  }
0x50: {  	_ =	shalt  }
0x51: {  	_ =	shalt  }
0x52: {  	_ =	shalt  }
0x53: {  	_ =	shalt  }
0x54: {  	_ =	shalt  }
0x55: {  	_ =	shalt  }
0x56: {  	_ =	shalt  }
0x57: {  	_ =	shalt  }
0x58: {  	_ =	shalt  }
0x59: {  	_ =	shalt  }
0x5a: {  	_ =	shalt  }
0x5b: {  	_ =	shalt  }
0x5c: {  	_ =	shalt  }
0x5d: {  	_ =	shalt  }
0x5e: {  	_ =	shalt  }
0x5f: {  	_ =	shalt  }
0x60: {  	_ =	shalt  }
0x61: {  	_ =	shalt  }
0x62: {  	_ =	shalt  }
0x63: {  	_ =	shalt  }
0x64: {  	_ =	shalt  }
0x65: {  	_ =	shalt  }
0x66: {  	_ =	shalt  }
0x67: {  	_ =	shalt  }
0x68: {  	_ =	shalt  }
0x69: {  	_ =	shalt  }
0x6a: {  	_ =	shalt  }
0x6b: {  	_ =	shalt  }
0x6c: {  	_ =	shalt  }
0x6d: {  	_ =	shalt  }
0x6e: {  	_ =	shalt  }
0x6f: {  	_ =	shalt  }
0x70: {  	_ =	shalt  }
0x71: {  	_ =	shalt  }
0x72: {  	_ =	shalt  }
0x73: {  	_ =	shalt  }
0x74: {  	_ =	shalt  }
0x75: {  	_ =	shalt  }
0x76: {  	_ =	shalt  }
0x77: {  	_ =	shalt  }
0x78: {  	_ =	shalt  }
0x79: {  	_ =	shalt  }
0x7a: {  	_ =	shalt  }
0x7b: {  	_ =	shalt  }
0x7c: {  	_ =	shalt  }
0x7d: {  	_ =	shalt  }
0x7e: {  	_ =	shalt  }
0x7f: {  	_ =	shalt  }
0x80: {  	_ =	shalt  }
0x81: {  	_ =	shalt  }
0x82: {  	_ =	shalt  }
0x83: {  	_ =	shalt  }
0x84: {  	_ =	shalt  }
0x85: {  	_ =	shalt  }
0x86: {  	_ =	shalt  }
0x87: {  	_ =	shalt  }
.Lfunc_end0:
.L_simem_size_0:
called_computation_lowered:
.L_overlay_start_0:
0x88: {  	s2 =	sld [smem:$0x3FD9]  }
0x89: {  	s3 =	sld [smem:$0x3FFE];
	_ =	sdelay $0x1  }
0x8a: {  	s1 =	srdreg.scid  }
0x8b: {  	s0 =	sand.u32 $0x1, s1  }
0x8c: {  	s16 =	sshll.u32 s0, $0xA;
	s2 =	sadd.s32 s3, s2  }
0x8d: {  	s2 =	sadd.s32 s2, s16  }
0x8e: {  	[smem:$0x3FBD] =	sst s2  }
0x8f: {  	_ = 	snop  }
0x90: {  	(tm) =	ssettm $0x1  }
0x91: {  	s17 =	sld [smem:$0x3FFB];
	_ =	sdelay $0x3  }
0x92: {  	_ =	strace s17  }
0x93: {  	s2 =	sld [smem:$0x3FFC];
	_ =	sdelay $0x3  }
0x94: {  	_ =	strace s2  }
0x95: {  	s2 =	sld [smem:$0x3FFD];
	_ =	sdelay $0x3  }
0x96: {  	_ =	strace s2  }
0x97: {  	_ =	strace $0x8FFFFFFF  }
0x98: {  	s18 =	sld [smem:$0x3FDB];
	_ =	sdelay $0x1  }
0x99: {  	s19 =	simm.s32 $_scs_section_size  }
0x9a: {  	s4 =	simm.s32 $_size__tile_overlayer_lowered;
	s5 =	simm.s32 $_tile_overlayer_lowered  }
0x9b: {  	s22 =	simm.s32 $0x1BFF;
	s21 =	sshll.u32 s5, $0x1;
	s2 =	sadd.s32 s19, s18  }
0x9c: {  	s6 =	simm.s32 $0x0;
	s20 =	sshll.u32 s4, $0x1;
	s4 =	sadd.s32 s21, s2  }
0x9d: {  	[timem:s6], [sflag:s22] =	dma.local [hbm:s4], s20  }
0x9e: {  	_ =	swait.ge [sflag:s22], s20  }
0x9f: {  	s3 =	ssub.s32 $0x0, s20;
	[sflag:s22] =	ssyncset.done $0x0  }
0xa0: {  	[sflag:s22] =	ssyncadd.s32 s3;
	_ =	sdelay $0x1  }
0xa1: {  	s23 =	simm.s32 $0x1B8B  }
0xa2: {  	_ =	swait.ge [sflag:s23], $0x1  }
0xa3: {  	[sflag:s23] =	ssyncset.done $0x0  }
0xa4: {  	s25 =	simm.s32 $0x1B8E;
	s24 =	sld [smem:$0x3FFE];
	[sflag:s23] =	ssyncadd.s32 $0xFFFFFFFF  }
0xa5: {  	s26 =	simm.s32 $execute0_lowered;
	[smem:$0x3FD2] =	sst s25  }
0xa6: {  	s4 =	sshll.u32 s26, $0x1;
	_ =	strace $0x80000046;
	[dreg:$0x1] =	wrdreg $0xFFFFFFFF  }
0xa7: {  	s28 =	simm.s32 $_size_execute0_lowered;
	s2 =	sadd.s32 s2, s4;
	[dreg:$0x0] =	wrdreg $0x0  }
0xa8: {  	s4 =	sshll.u32 s28, $0x1;
	[dreg:$0x2] =	wrdreg s2  }
0xa9: {  	[dreg:$0x3] =	wrdreg s4  }
0xaa: {  	[dreg:$0x4] =	wrdreg $0xC0  }
0xab: {  	_ =	task [dreg:s6], $0x5FFFF  }
0xac: {  	[dreg:$0x1] =	wrdreg $0xFFFFFFFF  }
0xad: {  	[dreg:$0x0] =	wrdreg $0x60  }
0xae: {  	[dreg:$0x2] =	wrdreg s24  }
0xaf: {  	[dreg:$0x3] =	wrdreg $0x63500  }
0xb0: {  	[dreg:$0x4] =	wrdreg $0x9  }
0xb1: {  	_ =	task.clear_ibuf [dreg:s6], $0x5FFFF;
	_ =	strace $0x90000046  }
0xb2: {  	s29 =	simm.s32 $0x9;
	_ =	strace $0x80000048  }
0xb3: {  	_ =	swait.ge [sflag:s29], $0x1  }
0xb4: {  	[sflag:s29] =	ssyncadd.s32 $0xFFFFFFFF  }
0xb5: {  	_ =	strace $0x90000048  }
0xb6: {  	_ =	sfence  }
0xb7: {  	s30 =	sld [smem:$0x0];
	_ =	sdelay $0x2  }
0xb8: {  	s31 =	sshll.u32 s1, $0xD;
	s1 =	sshrl.u32 s1, $0x2  }
0xb9: {  	s3 =	sand.u32 $0x4000, s31;
	s1 =	sadd.s32 s1, s30  }
0xba: {  	s0 =	sor.u32 s3, s0;
	s1 =	sshll.u32 s1, $0x11  }
0xbb: {  	s0 =	sor.u32 s1, s0  }
0xbc: {  	s0 =	sadd.s32 $0x8F2B, s0  }
0xbd: {  	[sflag:s0] =	ssyncadd.remote.s32 $0x1  }
0xbe: {  	_ =	sfence.sel $0xFFFF  }
0xbf: {  	[dreg:$0x0] =	wrdreg $0xFFFFFFFF;
	(pc) =	sbr.abs _section_cstart, $3  }
0xc0: {  	[dreg:$0x1] =	wrdreg $0xFFFFFFFF  }
0xc1: {  	_ =	task.clear_ibuf [dreg:s6], $0x2FFFF;
	_ =	strace $0x9FFFFFFF  }
0xc2: {  	(tm) =	ssettm $0x7FFFFFFF  }
0xc3: {  	_ =	shalt  }
tec
execute0_lowered:
.L_overlay_start_1:
0x0: {  	(tag) =	ssettag $0x1  }
0x1: {  	s0 =	rddreg [dreg:$0x0]  }
0x2: {  	s1 =	rddreg [dreg:$0x1];
	s2 =	simm.s32 $0x0  }
0x3: {  	s3 =	srdreg.scid;
	s15 =	stileid.u32;
	s28 =	simm.s32 $0xA00  }
0x4: {  	s29 =	simm.s32 $0x7D;
	s30 =	simm.s32 $0x1400;
	s31 =	simm.s32 $0x1  }
0x5: {  	[smem:$0x7FF] =	sst s2;
	s3 =	sand.u32 $0x1, s3;
	s4 =	sadd.s32 $0x16A00, s0  }
0x6: {  	s17 =	sadd.s32 $0xCA00, s0;
	s9 =	smul.u32 $0x16800, s15;
	s18 =	sadd.s32 $0x2A00, s0  }
0x7: {  	s0 =	sadd.s32 $0x42A00, s0;
	_ =	strace $0x80000047;
	s5 =	ssub.s32 $0x2, s3  }
0x8: {  	s8 =	smul.u32 $0x168000, s3;
	s6 =	sshrl.u32 s5, $0x1;
	s21 =	sadd.s32 s9, s1  }
0x9: {  	s16 =	sadd.s32 $0xD800, s9;
	s10 =	ssub.s32 s5, s6;
	s6 =	sshll.u32 s15, $0x1  }
0xa: {  	s7 =	sadd.s32 s9, s8;
	s19 =	sadd.s32 s8, s16;
	s24 =	sadd.s32 s16, s1  }
0xb: {  	s21 =	sshrl.u32 s21, $0x3;
	s3 =	sor.u32 s3, s6;
	s11 =	sshrl.u32 s7, $0x3  }
0xc: {  	s7 =	sadd.s32 $0x4800, s9;
	s10 =	smax.u32 s10, $0x1;
	s24 =	sshrl.u32 s24, $0x3  }
0xd: {  	s5 =	sadd.s32 s0, s11;
	s12 =	sadd.s32 s8, s7;
	s11 =	sadd.s32 $0x9000, s9  }
0xe: {  	s22 =	sadd.s32 s7, s1;
	s3 =	smul.u32 $0x500, s3;
	[dreg:$0x3] =	wrdreg s5  }
0xf: {  	s6 =	sshrl.u32 s12, $0x3;
	s12 =	sadd.s32 s8, s11;
	s23 =	sadd.s32 s11, s1  }
0x10: {  	s22 =	sshrl.u32 s22, $0x3;
	s13 =	sadd.s32 s0, s6;
	s14 =	sshrl.u32 s12, $0x3  }
0x11: {  	s11 =	sadd.s32 s17, s3;
	s12 =	sadd.s32 s18, s3;
	s16 =	sadd.s32 $0x280, s3  }
0x12: {  	s23 =	sshrl.u32 s23, $0x3;
	[dreg:$0x4] =	wrdreg s13;
	s7 =	sadd.s32 s0, s14  }
0x13: {  	s13 =	sadd.s32 $0x12000, s9;
	s9 =	sshrl.u32 s19, $0x3;
	s14 =	sadd.s32 $0x140, s3  }
0x14: {  	s19 =	smul.u32 $0x5A000, s15;
	s15 =	sadd.s32 s17, s16;
	s16 =	sadd.s32 s18, s16  }
0x15: {  	s3 =	sadd.s32 $0x3C0, s3;
	s8 =	sadd.s32 s8, s13;
	s25 =	sadd.s32 s13, s1  }
0x16: {  	s13 =	sadd.s32 s17, s14;
	s14 =	sadd.s32 s18, s14;
	s17 =	sadd.s32 s17, s3  }
0x17: {  	s18 =	sadd.s32 s18, s3;
	s20 =	sshrl.u32 s8, $0x3;
	s8 =	sadd.s32 s0, s9  }
0x18: {  	s26 =	sshrl.u32 s19, $0x2;
	s25 =	sshrl.u32 s25, $0x3;
	s9 =	sadd.s32 s0, s20  }
0x19: {  	v0 =	vimm.f32 $0.0e+00;
	s19 =	sadd.s32 s26, s1;
	s20 =	simm.s32 $0x5A50;
	s26 =	simm.s32 $0x2  }
.LBB2_1:
0x1a: {  	s0 =	simm.s32 $0x0;
	s3 =	simm.s32 $0x240  }
.LBB2_2:
0x1b: {  	p0 =	sne.s32 s3, $0x21C0;
	[tilespmem:s0+$0x5AD0] =	vst v0  }
0x1c: {  	[tilespmem:s0+$0x5A50] =	vst v0  }
0x1d: {  	[tilespmem:s0+$0x5A60] =	vst v0  }
0x1e: {  	[tilespmem:s0+$0x5A70] =	vst v0  }
.Ltmp0:
0x1f: {  	[tilespmem:s0+$0x5A80] =	vst v0;
	(pc) =	sbr.rel @p0 .LBB2_2-.Ltmp0, $4  }
0x20: {  	[tilespmem:s0+$0x5A90] =	vst v0  }
0x21: {  	[tilespmem:s0+$0x5AA0] =	vst v0  }
0x22: {  	[tilespmem:s0+$0x5AB0] =	vst v0  }
0x23: {  	[tilespmem:s0+$0x5AC0] =	vst v0;
	s0 =	sshra.s32 s3, $0x2;
	s3 =	sadd.s32 $0x240, s3  }
0x24: {  	[tilespmem:s0+$0x5AD0] =	vst v0  }
0x25: {  	[tilespmem:s0+$0x5A50] =	vst v0  }
0x26: {  	[tilespmem:s0+$0x5A60] =	vst v0  }
0x27: {  	[tilespmem:s0+$0x5A70] =	vst v0  }
0x28: {  	[tilespmem:s0+$0x5A80] =	vst v0  }
0x29: {  	[tilespmem:s0+$0x5A90] =	vst v0  }
0x2a: {  	[tilespmem:s0+$0x5AA0] =	vst v0  }
0x2b: {  	[tilespmem:s0+$0x5AB0] =	vst v0  }
0x2c: {  	[tilespmem:s0+$0x5AC0] =	vst v0;
	s6 =	sadd.s32 $0x0, s19  }
0x2d: {  	[spmem:s6] =	stream.linear.scatter [tilespmem:s20], [sflag:$0x2], $0x900, $0x38;
	[tilespmem:$0x1CB50] =	vst v63  }
0x2e: {  	s0 =	simm.s32 $0x2400;
	_ =	swait.ge [sflag:s26], $0x900  }
.LBB2_4:
0x2f: {  	s3 =	sshra.s32 s0, $0x2;
	[sflag:s26] =	ssyncset.done $0x0;
	p0 =	sne.s32 s0, $0x57C00  }
.Ltmp1:
0x30: {  	s3 =	sadd.s32 s3, s19;
	[sflag:s26] =	ssyncadd.s32 $0xFFFFF700;
	(pc) =	sbr.rel @p0 .LBB2_4-.Ltmp1, $3  }
0x31: {  	[spmem:s3] =	stream.linear.scatter [tilespmem:s20], [sflag:$0x2], $0x900, $0x38;
	[tilespmem:$0x1CB50] =	vst v63  }
0x32: {  	s0 =	sadd.s32 $0x2400, s0;
	_ =	sdelay $0x1  }
0x33: {  	_ =	swait.ge [sflag:s26], $0x900  }
0x34: {  	[sflag:s26] =	ssyncset.done $0x0  }
0x35: {  	[sflag:s26] =	ssyncadd.s32 $0xFFFFF700  }
0x36: {  	s0 =	simm.s32 $0x0;
	[bflag:$0x0] =	sbarrier.arrive $0xFFFF  }
0x37: {  	[tilespmem:s0], [sflag:$0x2] =	stream.linear.gather [hbm4b:s11+s0], $0xA00, $0x38;
	[tilespmem:$0x1CB50] =	vst v63  }
0x38: {  	_ =	swait.ge [sflag:s26], $0xA00  }
0x39: {  	[sflag:s26] =	ssyncset.done $0x0  }
0x3a: {  	[sflag:s26] =	ssyncadd.s32 $0xFFFFF600  }
0x3b: {  	[tilespmem:s28], [sflag:$0x2] =	stream.linear.gather [hbm4b:s12+s0], $0xA00, $0x38;
	[tilespmem:$0x1CB50] =	vst v63  }
0x3c: {  	_ =	swait.ge [sflag:s26], $0xA00  }
0x3d: {  	[sflag:s26] =	ssyncset.done $0x0  }
0x3e: {  	s5 =	simm.s32 $0x0;
	[sflag:s26] =	ssyncadd.s32 $0xFFFFF600  }
0x3f: {  	[tilespmem:s30], [sflag:$0x1] =	stream.indirect.gather [hbm4b:s4+s29], $0x90, s5, s29, $0xb8;
	[tilespmem:$0x1CB50] =	vst v63  }
0x40: {  	_ =	swait.ge [sflag:s31], $0x4650  }
0x41: {  	[sflag:s31] =	ssyncset.done $0x0  }
0x42: {  	s6 =	simm.s32 $0xA00;
	[sflag:s31] =	ssyncadd.s32 $0xFFFFB9B0  }
0x43: {  	[spmem:s1] =	stream.indirect.scatter.add.f32 [tilespmem:s30], [sflag:$0x2], $0x90, s6, s29, $0xb8;
	[tilespmem:$0x1CB50] =	vst v63  }
0x44: {  	_ =	swait.ge [sflag:s26], $0x4650  }
0x45: {  	s3 =	simm.s32 $0x400;
	s0 =	simm.s32 $0x200;
	[sflag:s26] =	ssyncset.done $0x0  }
.LBB2_6:
0x46: {  	s5 =	sshra.s32 s0, $0x2  }
0x47: {  	[sflag:s26] =	ssyncadd.s32 $0xFFFFB9B0;
	s0 =	smov.u32 s3;
	s6 =	sadd.s32 $0x200, s3  }
0x48: {  	[tilespmem:s30], [sflag:$0x1] =	stream.indirect.gather [hbm4b:s4+s29], $0x90, s5, s29, $0xb8;
	[tilespmem:$0x1CB50] =	vst v63  }
0x49: {  	p0 =	sne.s32 s3, $0x2600;
	_ =	swait.ge [sflag:s31], $0x4650  }
.Ltmp2:
0x4a: {  	[sflag:s31] =	ssyncset.done $0x0;
	(pc) =	sbr.rel @p0 .LBB2_6-.Ltmp2, $4  }
0x4b: {  	s3 =	sadd.s32 $0xA00, s5;
	[sflag:s31] =	ssyncadd.s32 $0xFFFFB9B0  }
0x4c: {  	[spmem:s1] =	stream.indirect.scatter.add.f32 [tilespmem:s30], [sflag:$0x2], $0x90, s3, s29, $0xb8;
	[tilespmem:$0x1CB50] =	vst v63  }
0x4d: {  	_ =	swait.ge [sflag:s26], $0x4650  }
0x4e: {  	s3 =	smov.u32 s6;
	[sflag:s26] =	ssyncset.done $0x0  }
0x4f: {  	s0 =	sshra.s32 s0, $0x2;
	[sflag:s26] =	ssyncadd.s32 $0xFFFFB9B0  }
0x50: {  	[tilespmem:s30], [sflag:$0x1] =	stream.indirect.gather [hbm4b:s4+s29], $0x90, s0, s29, $0xb8;
	[tilespmem:$0x1CB50] =	vst v63  }
0x51: {  	_ =	swait.ge [sflag:s31], $0x4650  }
0x52: {  	[sflag:s31] =	ssyncset.done $0x0  }
0x53: {  	s0 =	sadd.s32 $0xA00, s0;
	[sflag:s31] =	ssyncadd.s32 $0xFFFFB9B0  }
0x54: {  	[spmem:s1] =	stream.indirect.scatter.add.f32 [tilespmem:s30], [sflag:$0x2], $0x90, s0, s29, $0xb8;
	[tilespmem:$0x1CB50] =	vst v63  }
0x55: {  	_ =	swait.ge [sflag:s26], $0x4650  }
0x56: {  	[sflag:s26] =	ssyncset.done $0x0  }
0x57: {  	s3 =	simm.s32 $0x0;
	[sflag:s26] =	ssyncadd.s32 $0xFFFFB9B0  }
0x58: {  	[tilespmem:s3], [sflag:$0x2] =	stream.linear.gather [hbm4b:s13+s3], $0xA00, $0x38;
	[tilespmem:$0x1CB50] =	vst v63  }
0x59: {  	_ =	swait.ge [sflag:s26], $0xA00  }
0x5a: {  	[sflag:s26] =	ssyncset.done $0x0  }
0x5b: {  	[sflag:s26] =	ssyncadd.s32 $0xFFFFF600  }
0x5c: {  	[tilespmem:s28], [sflag:$0x2] =	stream.linear.gather [hbm4b:s14+s3], $0xA00, $0x38;
	[tilespmem:$0x1CB50] =	vst v63  }
0x5d: {  	_ =	swait.ge [sflag:s26], $0xA00  }
0x5e: {  	[sflag:s26] =	ssyncset.done $0x0  }
0x5f: {  	s5 =	simm.s32 $0x0;
	[sflag:s26] =	ssyncadd.s32 $0xFFFFF600  }
0x60: {  	[tilespmem:s30], [sflag:$0x1] =	stream.indirect.gather [hbm4b:s4+s29], $0x90, s5, s29, $0xb8;
	[tilespmem:$0x1CB50] =	vst v63  }
0x61: {  	_ =	swait.ge [sflag:s31], $0x4650  }
0x62: {  	[sflag:s31] =	ssyncset.done $0x0  }
0x63: {  	s6 =	simm.s32 $0xA00;
	[sflag:s31] =	ssyncadd.s32 $0xFFFFB9B0  }
0x64: {  	[spmem:s1] =	stream.indirect.scatter.add.f32 [tilespmem:s30], [sflag:$0x2], $0x90, s6, s29, $0xb8;
	[tilespmem:$0x1CB50] =	vst v63  }
0x65: {  	_ =	swait.ge [sflag:s26], $0x4650  }
0x66: {  	s0 =	simm.s32 $0x200;
	s3 =	simm.s32 $0x400;
	[sflag:s26] =	ssyncset.done $0x0  }
.LBB2_8:
0x67: {  	s5 =	sshra.s32 s0, $0x2  }
0x68: {  	[sflag:s26] =	ssyncadd.s32 $0xFFFFB9B0;
	s0 =	smov.u32 s3;
	s6 =	sadd.s32 $0x200, s3  }
0x69: {  	[tilespmem:s30], [sflag:$0x1] =	stream.indirect.gather [hbm4b:s4+s29], $0x90, s5, s29, $0xb8;
	[tilespmem:$0x1CB50] =	vst v63  }
0x6a: {  	p0 =	sne.s32 s3, $0x2600;
	_ =	swait.ge [sflag:s31], $0x4650  }
.Ltmp3:
0x6b: {  	[sflag:s31] =	ssyncset.done $0x0;
	(pc) =	sbr.rel @p0 .LBB2_8-.Ltmp3, $4  }
0x6c: {  	s3 =	sadd.s32 $0xA00, s5;
	[sflag:s31] =	ssyncadd.s32 $0xFFFFB9B0  }
0x6d: {  	[spmem:s1] =	stream.indirect.scatter.add.f32 [tilespmem:s30], [sflag:$0x2], $0x90, s3, s29, $0xb8;
	[tilespmem:$0x1CB50] =	vst v63  }
0x6e: {  	_ =	swait.ge [sflag:s26], $0x4650  }
0x6f: {  	s3 =	smov.u32 s6;
	[sflag:s26] =	ssyncset.done $0x0  }
0x70: {  	s0 =	sshra.s32 s0, $0x2;
	[sflag:s26] =	ssyncadd.s32 $0xFFFFB9B0  }
0x71: {  	[tilespmem:s30], [sflag:$0x1] =	stream.indirect.gather [hbm4b:s4+s29], $0x90, s0, s29, $0xb8;
	[tilespmem:$0x1CB50] =	vst v63  }
0x72: {  	_ =	swait.ge [sflag:s31], $0x4650  }
0x73: {  	[sflag:s31] =	ssyncset.done $0x0  }
0x74: {  	s0 =	sadd.s32 $0xA00, s0;
	[sflag:s31] =	ssyncadd.s32 $0xFFFFB9B0  }
0x75: {  	[spmem:s1] =	stream.indirect.scatter.add.f32 [tilespmem:s30], [sflag:$0x2], $0x90, s0, s29, $0xb8;
	[tilespmem:$0x1CB50] =	vst v63  }
0x76: {  	_ =	swait.ge [sflag:s26], $0x4650  }
0x77: {  	[sflag:s26] =	ssyncset.done $0x0  }
0x78: {  	s3 =	simm.s32 $0x0;
	[sflag:s26] =	ssyncadd.s32 $0xFFFFB9B0  }
0x79: {  	[tilespmem:s3], [sflag:$0x2] =	stream.linear.gather [hbm4b:s15+s3], $0xA00, $0x38;
	[tilespmem:$0x1CB50] =	vst v63  }
0x7a: {  	_ =	swait.ge [sflag:s26], $0xA00  }
0x7b: {  	[sflag:s26] =	ssyncset.done $0x0  }
0x7c: {  	[sflag:s26] =	ssyncadd.s32 $0xFFFFF600  }
0x7d: {  	[tilespmem:s28], [sflag:$0x2] =	stream.linear.gather [hbm4b:s16+s3], $0xA00, $0x38;
	[tilespmem:$0x1CB50] =	vst v63  }
0x7e: {  	_ =	swait.ge [sflag:s26], $0xA00  }
0x7f: {  	[sflag:s26] =	ssyncset.done $0x0  }
0x80: {  	s5 =	simm.s32 $0x0;
	[sflag:s26] =	ssyncadd.s32 $0xFFFFF600  }
0x81: {  	[tilespmem:s30], [sflag:$0x1] =	stream.indirect.gather [hbm4b:s4+s29], $0x90, s5, s29, $0xb8;
	[tilespmem:$0x1CB50] =	vst v63  }
0x82: {  	_ =	swait.ge [sflag:s31], $0x4650  }
0x83: {  	[sflag:s31] =	ssyncset.done $0x0  }
0x84: {  	s6 =	simm.s32 $0xA00;
	[sflag:s31] =	ssyncadd.s32 $0xFFFFB9B0  }
0x85: {  	[spmem:s1] =	stream.indirect.scatter.add.f32 [tilespmem:s30], [sflag:$0x2], $0x90, s6, s29, $0xb8;
	[tilespmem:$0x1CB50] =	vst v63  }
0x86: {  	_ =	swait.ge [sflag:s26], $0x4650  }
0x87: {  	s0 =	simm.s32 $0x200;
	s3 =	simm.s32 $0x400;
	[sflag:s26] =	ssyncset.done $0x0  }
.LBB2_10:
0x88: {  	s5 =	sshra.s32 s0, $0x2  }
0x89: {  	[sflag:s26] =	ssyncadd.s32 $0xFFFFB9B0;
	s0 =	smov.u32 s3;
	s6 =	sadd.s32 $0x200, s3  }
0x8a: {  	[tilespmem:s30], [sflag:$0x1] =	stream.indirect.gather [hbm4b:s4+s29], $0x90, s5, s29, $0xb8;
	[tilespmem:$0x1CB50] =	vst v63  }
0x8b: {  	p0 =	sne.s32 s3, $0x2600;
	_ =	swait.ge [sflag:s31], $0x4650  }
.Ltmp4:
0x8c: {  	[sflag:s31] =	ssyncset.done $0x0;
	(pc) =	sbr.rel @p0 .LBB2_10-.Ltmp4, $4  }
0x8d: {  	s3 =	sadd.s32 $0xA00, s5;
	[sflag:s31] =	ssyncadd.s32 $0xFFFFB9B0  }
0x8e: {  	[spmem:s1] =	stream.indirect.scatter.add.f32 [tilespmem:s30], [sflag:$0x2], $0x90, s3, s29, $0xb8;
	[tilespmem:$0x1CB50] =	vst v63  }
0x8f: {  	_ =	swait.ge [sflag:s26], $0x4650  }
0x90: {  	s3 =	smov.u32 s6;
	[sflag:s26] =	ssyncset.done $0x0  }
0x91: {  	s0 =	sshra.s32 s0, $0x2;
	[sflag:s26] =	ssyncadd.s32 $0xFFFFB9B0  }
0x92: {  	[tilespmem:s30], [sflag:$0x1] =	stream.indirect.gather [hbm4b:s4+s29], $0x90, s0, s29, $0xb8;
	[tilespmem:$0x1CB50] =	vst v63  }
0x93: {  	_ =	swait.ge [sflag:s31], $0x4650  }
0x94: {  	[sflag:s31] =	ssyncset.done $0x0  }
0x95: {  	s0 =	sadd.s32 $0xA00, s0;
	[sflag:s31] =	ssyncadd.s32 $0xFFFFB9B0  }
0x96: {  	[spmem:s1] =	stream.indirect.scatter.add.f32 [tilespmem:s30], [sflag:$0x2], $0x90, s0, s29, $0xb8;
	[tilespmem:$0x1CB50] =	vst v63  }
0x97: {  	_ =	swait.ge [sflag:s26], $0x4650  }
0x98: {  	[sflag:s26] =	ssyncset.done $0x0  }
0x99: {  	s3 =	simm.s32 $0x0;
	[sflag:s26] =	ssyncadd.s32 $0xFFFFB9B0  }
0x9a: {  	[tilespmem:s3], [sflag:$0x2] =	stream.linear.gather [hbm4b:s17+s3], $0xA00, $0x38;
	[tilespmem:$0x1CB50] =	vst v63  }
0x9b: {  	_ =	swait.ge [sflag:s26], $0xA00  }
0x9c: {  	[sflag:s26] =	ssyncset.done $0x0  }
0x9d: {  	[sflag:s26] =	ssyncadd.s32 $0xFFFFF600  }
0x9e: {  	[tilespmem:s28], [sflag:$0x2] =	stream.linear.gather [hbm4b:s18+s3], $0xA00, $0x38;
	[tilespmem:$0x1CB50] =	vst v63  }
0x9f: {  	_ =	swait.ge [sflag:s26], $0xA00  }
0xa0: {  	[sflag:s26] =	ssyncset.done $0x0  }
0xa1: {  	s5 =	simm.s32 $0x0;
	[sflag:s26] =	ssyncadd.s32 $0xFFFFF600  }
0xa2: {  	[tilespmem:s30], [sflag:$0x1] =	stream.indirect.gather [hbm4b:s4+s29], $0x90, s5, s29, $0xb8;
	[tilespmem:$0x1CB50] =	vst v63  }
0xa3: {  	_ =	swait.ge [sflag:s31], $0x4650  }
0xa4: {  	[sflag:s31] =	ssyncset.done $0x0  }
0xa5: {  	s6 =	simm.s32 $0xA00;
	[sflag:s31] =	ssyncadd.s32 $0xFFFFB9B0  }
0xa6: {  	[spmem:s1] =	stream.indirect.scatter.add.f32 [tilespmem:s30], [sflag:$0x2], $0x90, s6, s29, $0xb8;
	[tilespmem:$0x1CB50] =	vst v63  }
0xa7: {  	_ =	swait.ge [sflag:s26], $0x4650  }
0xa8: {  	s0 =	simm.s32 $0x200;
	s3 =	simm.s32 $0x400;
	[sflag:s26] =	ssyncset.done $0x0  }
.LBB2_12:
0xa9: {  	s5 =	sshra.s32 s0, $0x2  }
0xaa: {  	[sflag:s26] =	ssyncadd.s32 $0xFFFFB9B0;
	s0 =	smov.u32 s3;
	s6 =	sadd.s32 $0x200, s3  }
0xab: {  	[tilespmem:s30], [sflag:$0x1] =	stream.indirect.gather [hbm4b:s4+s29], $0x90, s5, s29, $0xb8;
	[tilespmem:$0x1CB50] =	vst v63  }
0xac: {  	p0 =	sne.s32 s3, $0x2600;
	_ =	swait.ge [sflag:s31], $0x4650  }
.Ltmp5:
0xad: {  	[sflag:s31] =	ssyncset.done $0x0;
	(pc) =	sbr.rel @p0 .LBB2_12-.Ltmp5, $4  }
0xae: {  	s3 =	sadd.s32 $0xA00, s5;
	[sflag:s31] =	ssyncadd.s32 $0xFFFFB9B0  }
0xaf: {  	[spmem:s1] =	stream.indirect.scatter.add.f32 [tilespmem:s30], [sflag:$0x2], $0x90, s3, s29, $0xb8;
	[tilespmem:$0x1CB50] =	vst v63  }
0xb0: {  	_ =	swait.ge [sflag:s26], $0x4650  }
0xb1: {  	s3 =	smov.u32 s6;
	[sflag:s26] =	ssyncset.done $0x0  }
0xb2: {  	s0 =	sshra.s32 s0, $0x2;
	[sflag:s26] =	ssyncadd.s32 $0xFFFFB9B0  }
0xb3: {  	[tilespmem:s30], [sflag:$0x1] =	stream.indirect.gather [hbm4b:s4+s29], $0x90, s0, s29, $0xb8;
	[tilespmem:$0x1CB50] =	vst v63  }
0xb4: {  	_ =	swait.ge [sflag:s31], $0x4650  }
0xb5: {  	[sflag:s31] =	ssyncset.done $0x0  }
0xb6: {  	s0 =	sadd.s32 $0xA00, s0;
	[sflag:s31] =	ssyncadd.s32 $0xFFFFB9B0  }
0xb7: {  	[spmem:s1] =	stream.indirect.scatter.add.f32 [tilespmem:s30], [sflag:$0x2], $0x90, s0, s29, $0xb8;
	[tilespmem:$0x1CB50] =	vst v63  }
0xb8: {  	_ =	swait.ge [sflag:s26], $0x4650  }
0xb9: {  	[sflag:s26] =	ssyncset.done $0x0  }
0xba: {  	s5 =	stileid.u32;
	[sflag:s26] =	ssyncadd.s32 $0xFFFFB9B0  }
0xbb: {  	s0 =	sshll.u32 s5, $0x6;
	[bflag:$0x0] =	sbarrier.arrive $0xFFFF  }
0xbc: {  	s0 =	sor.u32 $0x1C02, s0;
	s3 =	rddreg [dreg:$0x3]  }
0xbd: {  	[hbm:s3], [sflag:s0] =	dma.local [spmem:s21], $0x900  }
0xbe: {  	_ =	swait.ge [sflag:s26], $0x900  }
0xbf: {  	[sflag:s26] =	ssyncset.done $0x0  }
0xc0: {  	s6 =	rddreg [dreg:$0x4];
	[sflag:s26] =	ssyncadd.s32 $0xFFFFF700  }
0xc1: {  	[hbm:s6], [sflag:s0] =	dma.local [spmem:s22], $0x900  }
0xc2: {  	_ =	swait.ge [sflag:s26], $0x900  }
0xc3: {  	[sflag:s26] =	ssyncset.done $0x0  }
0xc4: {  	[sflag:s26] =	ssyncadd.s32 $0xFFFFF700  }
0xc5: {  	[hbm:s7], [sflag:s0] =	dma.local [spmem:s23], $0x900  }
0xc6: {  	_ =	swait.ge [sflag:s26], $0x900  }
0xc7: {  	[sflag:s26] =	ssyncset.done $0x0  }
0xc8: {  	[sflag:s26] =	ssyncadd.s32 $0xFFFFF700  }
0xc9: {  	[hbm:s8], [sflag:s0] =	dma.local [spmem:s24], $0x900  }
0xca: {  	s2 =	sadd.s32 $0x1, s2;
	_ =	swait.ge [sflag:s26], $0x900  }
0xcb: {  	p0 =	sne.s32 s2, s10;
	[sflag:s26] =	ssyncset.done $0x0  }
.Ltmp6:
0xcc: {  	[sflag:s26] =	ssyncadd.s32 $0xFFFFF700;
	(pc) =	sbr.rel @p0 .LBB2_1-.Ltmp6, $4  }
0xcd: {  	[hbm:s9], [sflag:s0] =	dma.local [spmem:s25], $0x900  }
0xce: {  	_ =	swait.ge [sflag:s26], $0x900  }
0xcf: {  	[sflag:s26] =	ssyncset.done $0x0  }
0xd0: {  	[sflag:s26] =	ssyncadd.s32 $0xFFFFF700  }
0xd1: {  	_ =	sfence.sel $0x180000  }
0xd2: {  	[bflag:$0x0] =	sbarrier.arrive $0xFFFF  }
0xd3: {  	_ =	strace $0x90000047  }
0xd4: {  	s0 =	stileid.u32;
	[bflag:$0x2] =	sbarrier.arrive $0xFFFF  }
0xd5: {  	p0 =	sne.s32 s0, $0x0;
	s0 =	rddreg [dreg:$0x2]  }
0xd6: {  	s0 =	sadd.s32 @!p0 $0x100000, s0  }
0xd7: {  	[sflag:s0] =	ssyncadd.tile.s32 @!p0 $0x1;
	_ =	shalt  }
.Lfunc_end2:
_tile_overlayer_lowered:
.L_overlay_start_2:
0xd8: {  	(tag) =	ssettag $0x2  }
0xd9: {  	s0 =	rddreg [dreg:$0x0];
	s2 =	stileid.u32  }
0xda: {  	s1 =	rddreg [dreg:$0x1];
	p0 =	sne.s32 s2, $0x0  }
0xdb: {  	s3 =	rddreg [dreg:$0x2];
	[bflag:$0x3] =	sbarrier.arrive $0xFFFF;
	s2 =	simm.s32 @!p0 $0x1C02  }
0xdc: {  	[timem:s3], [sflag:s2] =	dma.local @!p0 [hbm:s0], s1  }
0xdd: {  	s0 =	simm.s32 @!p0 $0x2  }
0xde: {  	_ =	swait.ge @!p0 [sflag:s0], s1  }
0xdf: {  	s1 =	ssub.s32 @!p0 $0x0, s1;
	[sflag:s0] =	ssyncset.done @!p0 $0x0  }
0xe0: {  	[sflag:s0] =	ssyncadd.s32 @!p0 s1  }
0xe1: {  	[bflag:$0x3] =	sbarrier.arrive $0xFFFF  }
0xe2: {  	_ =	shalt  }

</sc_bundles>
